<compile_context>
chip_gen: v7x
topology: tpu7x:2x2x1
jax: 0.10.2.dev20260603
libtpu: 0.0.44.dev20260713+nightly
codegen_flags: <defaults>
</compile_context>

<pallas_src>
import functools

import jax
import jax.numpy as jnp
from jax import lax
from jax.experimental import pallas as pl
from jax.experimental.pallas import tpu as pltpu
from jax.experimental.pallas import tpu_sc as plsc

VOCAB = 100000
DIM = 300
DM = 256
DT = 128
B = 1024
L = 200

NC = 2
NS = 16
NW = NC * NS

N = B * L
N_PER_W = N // NW
CHUNK = 64
N_CHUNKS = N_PER_W // CHUNK
NBUF = 4


def _make_sc_gather():
  mesh = plsc.VectorSubcoreMesh(core_axis_name="c", subcore_axis_name="s")

  @functools.partial(
      pl.kernel,
      mesh=mesh,
      compiler_params=pltpu.CompilerParams(use_tc_tiling_on_sc=True),
      out_type=(jax.ShapeDtypeStruct((N, DIM), jnp.float32),
                jax.ShapeDtypeStruct((N, DT), jnp.float32)),
      scratch_types=(
          [pltpu.VMEM((N_CHUNKS, CHUNK), jnp.int32)]
          + [pltpu.VMEM((CHUNK, DM), jnp.float32)] * NBUF
          + [pltpu.VMEM((CHUNK, DT), jnp.float32)] * NBUF
          + [pltpu.SemaphoreType.DMA] * (4 * NBUF)
      ),
  )
  def sc_gather(table_hbm, tail_hbm, idx_hbm, out_hbm, outt_hbm,
                idx_v, *bufs_and_sems):
    va = bufs_and_sems[0:NBUF]
    vb = bufs_and_sems[NBUF:2 * NBUF]
    sa = bufs_and_sems[2 * NBUF:3 * NBUF]
    sb = bufs_and_sems[3 * NBUF:4 * NBUF]
    oa = bufs_and_sems[4 * NBUF:5 * NBUF]
    ob = bufs_and_sems[5 * NBUF:6 * NBUF]
    wid = lax.axis_index("s") * NC + lax.axis_index("c")
    base = wid * N_PER_W
    pltpu.sync_copy(idx_hbm.at[wid], idx_v)

    def start_gather(c, k):
      pltpu.async_copy(table_hbm.at[idx_v.at[c], pl.ds(0, DM)], va[k], sa[k])
      pltpu.async_copy(tail_hbm.at[idx_v.at[c]], vb[k], sb[k])

    def wait_gather(c, k):
      pltpu.make_async_copy(
          table_hbm.at[idx_v.at[c], pl.ds(0, DM)], va[k], sa[k]).wait()
      pltpu.make_async_copy(tail_hbm.at[idx_v.at[c]], vb[k], sb[k]).wait()

    def start_out(c, k):
      rows = pl.ds(base + c * CHUNK, CHUNK)
      pltpu.async_copy(va[k], out_hbm.at[rows, pl.ds(0, DM)], oa[k])
      pltpu.async_copy(vb[k], outt_hbm.at[rows], ob[k])

    def wait_out(c, k):
      rows = pl.ds(base + c * CHUNK, CHUNK)
      pltpu.make_async_copy(va[k], out_hbm.at[rows, pl.ds(0, DM)], oa[k]).wait()
      pltpu.make_async_copy(vb[k], outt_hbm.at[rows], ob[k]).wait()

    for k in range(NBUF):
      start_gather(k, k)

    def body(r, carry):
      for k in range(NBUF):
        c = NBUF * r + k
        wait_gather(c, k)
        start_out(c, k)
      for k in range(NBUF):
        c = NBUF * r + k

        @pl.when(c + NBUF < N_CHUNKS)
        def _():
          wait_out(c, k)
          start_gather(c + NBUF, k)

      return carry

    lax.fori_loop(0, N_CHUNKS // NBUF, body, 0)
    for k in range(NBUF):
      wait_out(N_CHUNKS - NBUF + k, k)

  return sc_gather


_sc_gather = _make_sc_gather()


def kernel(embedding_table, word_sequences):
  tail_p = jnp.pad(embedding_table[:, DM:], ((0, 0), (0, DT - (DIM - DM))))
  idx = word_sequences.reshape(NW, N_CHUNKS, CHUNK)
  out, outt = _sc_gather(embedding_table, tail_p, idx)
  out = lax.dynamic_update_slice(out, outt[:, :DIM - DM], (0, DM))
  return out.reshape(B, L, DIM)

# --- scband reference (transcript-rebuilt; emitter-appended) ---
"""Pipeline reference for scband-fast-text-lexer-37546604101985 (READ-ONLY COPY).

The authoritative reference and input builder live on the scoring server;
editing this copy changes nothing except your own understanding.
"""

import jax, jax.numpy as jnp
import numpy as np

VOCAB = 100000
DIM = 300
B = 1024
L = 200


def setup_inputs(seed: int = 0) -> dict:
    key = jax.random.key(seed)
    k1, k2 = jax.random.split(key)
    # Frozen fastText embedding matrix stand-in: [vocab, 300]
    embedding_table = jax.random.normal(k1, (VOCAB, DIM), dtype=jnp.float32)
    # Integer word-id sequences, values in [0, VOCAB)
    word_sequences = jax.random.randint(k2, (B, L), 0, VOCAB, dtype=jnp.int32)
    return {"embedding_table": embedding_table, "word_sequences": word_sequences}


def reference(embedding_table, word_sequences):
    # nn.Embedding forward: row gather from the (frozen) table
    return jnp.take(embedding_table, word_sequences, axis=0)

if __name__ == "__main__":
    import jax
    _d = setup_inputs()
    print(jax.jit(kernel)(*tuple(_d.values())))

</pallas_src>

<mosaic_0001>
#map = affine_map<(d0, d1) -> (0, 0)>
#map1 = affine_map<(d0, d1) -> (0, 0, 0)>
module attributes {stable_mosaic.version = 14 : i64} {
  func.func @sc_gather(%arg0: i32, %arg1: i32, %arg2: memref<100000x300xf32, #tpu.memory_space<hbm>>, %arg3: memref<100000x128xf32, #tpu.memory_space<hbm>>, %arg4: memref<32x100x64xi32, #tpu.memory_space<hbm>>, %arg5: memref<204800x300xf32, #tpu.memory_space<hbm>>, %arg6: memref<204800x128xf32, #tpu.memory_space<hbm>>, %arg7: memref<100x64xi32, #tpu.memory_space<vmem>>, %arg8: memref<64x256xf32, #tpu.memory_space<vmem>>, %arg9: memref<64x256xf32, #tpu.memory_space<vmem>>, %arg10: memref<64x256xf32, #tpu.memory_space<vmem>>, %arg11: memref<64x256xf32, #tpu.memory_space<vmem>>, %arg12: memref<64x128xf32, #tpu.memory_space<vmem>>, %arg13: memref<64x128xf32, #tpu.memory_space<vmem>>, %arg14: memref<64x128xf32, #tpu.memory_space<vmem>>, %arg15: memref<64x128xf32, #tpu.memory_space<vmem>>, %arg16: memref<!tpu.dma_semaphore, #tpu.memory_space<semaphore_mem>>, %arg17: memref<!tpu.dma_semaphore, #tpu.memory_space<semaphore_mem>>, %arg18: memref<!tpu.dma_semaphore, #tpu.memory_space<semaphore_mem>>, %arg19: memref<!tpu.dma_semaphore, #tpu.memory_space<semaphore_mem>>, %arg20: memref<!tpu.dma_semaphore, #tpu.memory_space<semaphore_mem>>, %arg21: memref<!tpu.dma_semaphore, #tpu.memory_space<semaphore_mem>>, %arg22: memref<!tpu.dma_semaphore, #tpu.memory_space<semaphore_mem>>, %arg23: memref<!tpu.dma_semaphore, #tpu.memory_space<semaphore_mem>>, %arg24: memref<!tpu.dma_semaphore, #tpu.memory_space<semaphore_mem>>, %arg25: memref<!tpu.dma_semaphore, #tpu.memory_space<semaphore_mem>>, %arg26: memref<!tpu.dma_semaphore, #tpu.memory_space<semaphore_mem>>, %arg27: memref<!tpu.dma_semaphore, #tpu.memory_space<semaphore_mem>>, %arg28: memref<!tpu.dma_semaphore, #tpu.memory_space<semaphore_mem>>, %arg29: memref<!tpu.dma_semaphore, #tpu.memory_space<semaphore_mem>>, %arg30: memref<!tpu.dma_semaphore, #tpu.memory_space<semaphore_mem>>, %arg31: memref<!tpu.dma_semaphore, #tpu.memory_space<semaphore_mem>>) attributes {dimension_semantics = [#tpu.dimension_semantics<core_parallel>, #tpu.dimension_semantics<subcore_parallel>], iteration_bounds = array<i64: 2, 16>, scalar_prefetch = 0 : i64, scratch_operands = 25 : i64, tpu.core_type = #tpu.core_type<sc_vector_subcore>, window_params = [{transform_indices = #map}, {transform_indices = #map}, {transform_indices = #map1}, {transform_indices = #map}, {transform_indices = #map}]} {
    %mul3A = arith.constant 2 : i32
    %mul3A_0 = arith.muli %arg1, %mul3A : i32
    %add3A = arith.addi %mul3A_0, %arg0 : i32
    %mul3A_1 = arith.constant 6400 : i32
    %mul3A_2 = arith.muli %add3A, %mul3A_1 : i32
    "tpu.region"() ({
      %run_scoped3A = tpu.sem_alloc : memref<!tpu.dma_semaphore, #tpu.memory_space<semaphore_mem>>
      %dma_start3A_102 = arith.constant 0 : i32
      %dma_start3A_103 = arith.constant 0 : i32
      %dma_start3A_104 = tpu.memref_slice %arg4[%add3A, %dma_start3A_102, %dma_start3A_103] : memref<32x100x64xi32, #tpu.memory_space<hbm>> -> memref<1x100x64xi32, #tpu.memory_space<hbm>>
      %dma_start3A_105 = tpu.memref_squeeze %dma_start3A_104 : memref<1x100x64xi32, #tpu.memory_space<hbm>> -> memref<100x64xi32, #tpu.memory_space<hbm>>
      %dma_start3A_106 = arith.constant 0 : i32
      %dma_start3A_107 = arith.constant 0 : i32
      %dma_start3A_108 = tpu.memref_slice %arg4[%add3A, %dma_start3A_106, %dma_start3A_107] : memref<32x100x64xi32, #tpu.memory_space<hbm>> -> memref<1x100x64xi32, #tpu.memory_space<hbm>>
      %dma_start3A_109 = tpu.memref_squeeze %dma_start3A_108 : memref<1x100x64xi32, #tpu.memory_space<hbm>> -> memref<100x64xi32, #tpu.memory_space<hbm>>
      tpu.enqueue_dma source(%dma_start3A_109 : memref<100x64xi32, #tpu.memory_space<hbm>>) target(%arg7 : memref<100x64xi32, #tpu.memory_space<vmem>>) target_semaphore(%run_scoped3A : memref<!tpu.dma_semaphore, #tpu.memory_space<semaphore_mem>>)
      %dma_wait3A_110 = arith.constant 0 : i32
      %dma_wait3A_111 = arith.constant 0 : i32
      %dma_wait3A_112 = tpu.memref_slice %arg4[%add3A, %dma_wait3A_110, %dma_wait3A_111] : memref<32x100x64xi32, #tpu.memory_space<hbm>> -> memref<1x100x64xi32, #tpu.memory_space<hbm>>
      %dma_wait3A_113 = tpu.memref_squeeze %dma_wait3A_112 : memref<1x100x64xi32, #tpu.memory_space<hbm>> -> memref<100x64xi32, #tpu.memory_space<hbm>>
      %dma_wait3A_114 = arith.constant 0 : i32
      %dma_wait3A_115 = arith.constant 0 : i32
      %dma_wait3A_116 = tpu.memref_slice %arg4[%add3A, %dma_wait3A_114, %dma_wait3A_115] : memref<32x100x64xi32, #tpu.memory_space<hbm>> -> memref<1x100x64xi32, #tpu.memory_space<hbm>>
      %dma_wait3A_117 = tpu.memref_squeeze %dma_wait3A_116 : memref<1x100x64xi32, #tpu.memory_space<hbm>> -> memref<100x64xi32, #tpu.memory_space<hbm>>
      tpu.wait_dma2 semaphore(%run_scoped3A : memref<!tpu.dma_semaphore, #tpu.memory_space<semaphore_mem>>) src(%dma_wait3A_117 : memref<100x64xi32, #tpu.memory_space<hbm>>) dst(%arg7 : memref<100x64xi32, #tpu.memory_space<vmem>>)
      tpu.yield
    }) : () -> ()
    %dma_start3A = arith.constant 0 : i32
    %dma_start3A_3 = arith.constant 0 : i32
    %dma_start3A_4 = tpu.memref_slice %arg7[%dma_start3A, %dma_start3A_3] : memref<100x64xi32, #tpu.memory_space<vmem>> -> memref<1x64xi32, #tpu.memory_space<vmem>>
    %dma_start3A_5 = tpu.memref_squeeze %dma_start3A_4 : memref<1x64xi32, #tpu.memory_space<vmem>> -> memref<64xi32, #tpu.memory_space<vmem>>
    %dma_start3A_6 = arith.constant 0 : i32
    %dma_start3A_7 = arith.constant 0 : i32
    %dma_start3A_8 = tpu.memref_slice %arg2[%dma_start3A_6, %dma_start3A_7] : memref<100000x300xf32, #tpu.memory_space<hbm>> -> memref<100000x256xf32, #tpu.memory_space<hbm>>
    tpu.enqueue_indirect_dma source(%dma_start3A_8 : memref<100000x256xf32, #tpu.memory_space<hbm>>) target(%arg8 : memref<64x256xf32, #tpu.memory_space<vmem>>) offsets(%dma_start3A_5 : memref<64xi32, #tpu.memory_space<vmem>>) semaphore(%arg16 : memref<!tpu.dma_semaphore, #tpu.memory_space<semaphore_mem>>)
    %dma_start3A_9 = arith.constant 0 : i32
    %dma_start3A_10 = arith.constant 0 : i32
    %dma_start3A_11 = tpu.memref_slice %arg7[%dma_start3A_9, %dma_start3A_10] : memref<100x64xi32, #tpu.memory_space<vmem>> -> memref<1x64xi32, #tpu.memory_space<vmem>>
    %dma_start3A_12 = tpu.memref_squeeze %dma_start3A_11 : memref<1x64xi32, #tpu.memory_space<vmem>> -> memref<64xi32, #tpu.memory_space<vmem>>
    %dma_start3A_13 = arith.constant 0 : i32
    %dma_start3A_14 = arith.constant 0 : i32
    %dma_start3A_15 = tpu.memref_slice %arg3[%dma_start3A_13, %dma_start3A_14] : memref<100000x128xf32, #tpu.memory_space<hbm>> -> memref<100000x128xf32, #tpu.memory_space<hbm>>
    tpu.enqueue_indirect_dma source(%dma_start3A_15 : memref<100000x128xf32, #tpu.memory_space<hbm>>) target(%arg12 : memref<64x128xf32, #tpu.memory_space<vmem>>) offsets(%dma_start3A_12 : memref<64xi32, #tpu.memory_space<vmem>>) semaphore(%arg20 : memref<!tpu.dma_semaphore, #tpu.memory_space<semaphore_mem>>)
    %dma_start3A_16 = arith.constant 1 : i32
    %dma_start3A_17 = arith.constant 0 : i32
    %dma_start3A_18 = tpu.memref_slice %arg7[%dma_start3A_16, %dma_start3A_17] : memref<100x64xi32, #tpu.memory_space<vmem>> -> memref<1x64xi32, #tpu.memory_space<vmem>>
    %dma_start3A_19 = tpu.memref_squeeze %dma_start3A_18 : memref<1x64xi32, #tpu.memory_space<vmem>> -> memref<64xi32, #tpu.memory_space<vmem>>
    %dma_start3A_20 = arith.constant 0 : i32
    %dma_start3A_21 = arith.constant 0 : i32
    %dma_start3A_22 = tpu.memref_slice %arg2[%dma_start3A_20, %dma_start3A_21] : memref<100000x300xf32, #tpu.memory_space<hbm>> -> memref<100000x256xf32, #tpu.memory_space<hbm>>
    tpu.enqueue_indirect_dma source(%dma_start3A_22 : memref<100000x256xf32, #tpu.memory_space<hbm>>) target(%arg9 : memref<64x256xf32, #tpu.memory_space<vmem>>) offsets(%dma_start3A_19 : memref<64xi32, #tpu.memory_space<vmem>>) semaphore(%arg17 : memref<!tpu.dma_semaphore, #tpu.memory_space<semaphore_mem>>)
    %dma_start3A_23 = arith.constant 1 : i32
    %dma_start3A_24 = arith.constant 0 : i32
    %dma_start3A_25 = tpu.memref_slice %arg7[%dma_start3A_23, %dma_start3A_24] : memref<100x64xi32, #tpu.memory_space<vmem>> -> memref<1x64xi32, #tpu.memory_space<vmem>>
    %dma_start3A_26 = tpu.memref_squeeze %dma_start3A_25 : memref<1x64xi32, #tpu.memory_space<vmem>> -> memref<64xi32, #tpu.memory_space<vmem>>
    %dma_start3A_27 = arith.constant 0 : i32
    %dma_start3A_28 = arith.constant 0 : i32
    %dma_start3A_29 = tpu.memref_slice %arg3[%dma_start3A_27, %dma_start3A_28] : memref<100000x128xf32, #tpu.memory_space<hbm>> -> memref<100000x128xf32, #tpu.memory_space<hbm>>
    tpu.enqueue_indirect_dma source(%dma_start3A_29 : memref<100000x128xf32, #tpu.memory_space<hbm>>) target(%arg13 : memref<64x128xf32, #tpu.memory_space<vmem>>) offsets(%dma_start3A_26 : memref<64xi32, #tpu.memory_space<vmem>>) semaphore(%arg21 : memref<!tpu.dma_semaphore, #tpu.memory_space<semaphore_mem>>)
    %dma_start3A_30 = arith.constant 2 : i32
    %dma_start3A_31 = arith.constant 0 : i32
    %dma_start3A_32 = tpu.memref_slice %arg7[%dma_start3A_30, %dma_start3A_31] : memref<100x64xi32, #tpu.memory_space<vmem>> -> memref<1x64xi32, #tpu.memory_space<vmem>>
    %dma_start3A_33 = tpu.memref_squeeze %dma_start3A_32 : memref<1x64xi32, #tpu.memory_space<vmem>> -> memref<64xi32, #tpu.memory_space<vmem>>
    %dma_start3A_34 = arith.constant 0 : i32
    %dma_start3A_35 = arith.constant 0 : i32
    %dma_start3A_36 = tpu.memref_slice %arg2[%dma_start3A_34, %dma_start3A_35] : memref<100000x300xf32, #tpu.memory_space<hbm>> -> memref<100000x256xf32, #tpu.memory_space<hbm>>
    tpu.enqueue_indirect_dma source(%dma_start3A_36 : memref<100000x256xf32, #tpu.memory_space<hbm>>) target(%arg10 : memref<64x256xf32, #tpu.memory_space<vmem>>) offsets(%dma_start3A_33 : memref<64xi32, #tpu.memory_space<vmem>>) semaphore(%arg18 : memref<!tpu.dma_semaphore, #tpu.memory_space<semaphore_mem>>)
    %dma_start3A_37 = arith.constant 2 : i32
    %dma_start3A_38 = arith.constant 0 : i32
    %dma_start3A_39 = tpu.memref_slice %arg7[%dma_start3A_37, %dma_start3A_38] : memref<100x64xi32, #tpu.memory_space<vmem>> -> memref<1x64xi32, #tpu.memory_space<vmem>>
    %dma_start3A_40 = tpu.memref_squeeze %dma_start3A_39 : memref<1x64xi32, #tpu.memory_space<vmem>> -> memref<64xi32, #tpu.memory_space<vmem>>
    %dma_start3A_41 = arith.constant 0 : i32
    %dma_start3A_42 = arith.constant 0 : i32
    %dma_start3A_43 = tpu.memref_slice %arg3[%dma_start3A_41, %dma_start3A_42] : memref<100000x128xf32, #tpu.memory_space<hbm>> -> memref<100000x128xf32, #tpu.memory_space<hbm>>
    tpu.enqueue_indirect_dma source(%dma_start3A_43 : memref<100000x128xf32, #tpu.memory_space<hbm>>) target(%arg14 : memref<64x128xf32, #tpu.memory_space<vmem>>) offsets(%dma_start3A_40 : memref<64xi32, #tpu.memory_space<vmem>>) semaphore(%arg22 : memref<!tpu.dma_semaphore, #tpu.memory_space<semaphore_mem>>)
    %dma_start3A_44 = arith.constant 3 : i32
    %dma_start3A_45 = arith.constant 0 : i32
    %dma_start3A_46 = tpu.memref_slice %arg7[%dma_start3A_44, %dma_start3A_45] : memref<100x64xi32, #tpu.memory_space<vmem>> -> memref<1x64xi32, #tpu.memory_space<vmem>>
    %dma_start3A_47 = tpu.memref_squeeze %dma_start3A_46 : memref<1x64xi32, #tpu.memory_space<vmem>> -> memref<64xi32, #tpu.memory_space<vmem>>
    %dma_start3A_48 = arith.constant 0 : i32
    %dma_start3A_49 = arith.constant 0 : i32
    %dma_start3A_50 = tpu.memref_slice %arg2[%dma_start3A_48, %dma_start3A_49] : memref<100000x300xf32, #tpu.memory_space<hbm>> -> memref<100000x256xf32, #tpu.memory_space<hbm>>
    tpu.enqueue_indirect_dma source(%dma_start3A_50 : memref<100000x256xf32, #tpu.memory_space<hbm>>) target(%arg11 : memref<64x256xf32, #tpu.memory_space<vmem>>) offsets(%dma_start3A_47 : memref<64xi32, #tpu.memory_space<vmem>>) semaphore(%arg19 : memref<!tpu.dma_semaphore, #tpu.memory_space<semaphore_mem>>)
    %dma_start3A_51 = arith.constant 3 : i32
    %dma_start3A_52 = arith.constant 0 : i32
    %dma_start3A_53 = tpu.memref_slice %arg7[%dma_start3A_51, %dma_start3A_52] : memref<100x64xi32, #tpu.memory_space<vmem>> -> memref<1x64xi32, #tpu.memory_space<vmem>>
    %dma_start3A_54 = tpu.memref_squeeze %dma_start3A_53 : memref<1x64xi32, #tpu.memory_space<vmem>> -> memref<64xi32, #tpu.memory_space<vmem>>
    %dma_start3A_55 = arith.constant 0 : i32
    %dma_start3A_56 = arith.constant 0 : i32
    %dma_start3A_57 = tpu.memref_slice %arg3[%dma_start3A_55, %dma_start3A_56] : memref<100000x128xf32, #tpu.memory_space<hbm>> -> memref<100000x128xf32, #tpu.memory_space<hbm>>
    tpu.enqueue_indirect_dma source(%dma_start3A_57 : memref<100000x128xf32, #tpu.memory_space<hbm>>) target(%arg15 : memref<64x128xf32, #tpu.memory_space<vmem>>) offsets(%dma_start3A_54 : memref<64xi32, #tpu.memory_space<vmem>>) semaphore(%arg23 : memref<!tpu.dma_semaphore, #tpu.memory_space<semaphore_mem>>)
    %scan3A = arith.constant 0 : i32
    %scan3A_58 = arith.constant 0 : i32
    %scan3A_59 = arith.constant 25 : i32
    %scan3A_60 = arith.addi %scan3A_58, %scan3A_59 : i32
    %scan3A_61 = arith.constant 1 : i32
    scf.for %scan3A_102 = %scan3A_58 to %scan3A_60 step %scan3A_61  : i32 {
      %mul3A_103 = arith.constant 4 : i32
      %mul3A_104 = arith.muli %mul3A_103, %scan3A_102 : i32
      %add3A_105 = arith.constant 0 : i32
      %add3A_106 = arith.addi %mul3A_104, %add3A_105 : i32
      %dma_wait3A_107 = arith.constant 0 : i32
      %dma_wait3A_108 = tpu.memref_slice %arg7[%add3A_106, %dma_wait3A_107] : memref<100x64xi32, #tpu.memory_space<vmem>> -> memref<1x64xi32, #tpu.memory_space<vmem>>
      %dma_wait3A_109 = tpu.memref_squeeze %dma_wait3A_108 : memref<1x64xi32, #tpu.memory_space<vmem>> -> memref<64xi32, #tpu.memory_space<vmem>>
      %dma_wait3A_110 = arith.constant 0 : i32
      %dma_wait3A_111 = arith.constant 0 : i32
      %dma_wait3A_112 = tpu.memref_slice %arg2[%dma_wait3A_110, %dma_wait3A_111] : memref<100000x300xf32, #tpu.memory_space<hbm>> -> memref<100000x256xf32, #tpu.memory_space<hbm>>
      tpu.wait_indirect_dma semaphore(%arg16 : memref<!tpu.dma_semaphore, #tpu.memory_space<semaphore_mem>>) src(%dma_wait3A_112 : memref<100000x256xf32, #tpu.memory_space<hbm>>) dst(%arg8 : memref<64x256xf32, #tpu.memory_space<vmem>>)
      %dma_wait3A_113 = arith.constant 0 : i32
      %dma_wait3A_114 = tpu.memref_slice %arg7[%add3A_106, %dma_wait3A_113] : memref<100x64xi32, #tpu.memory_space<vmem>> -> memref<1x64xi32, #tpu.memory_space<vmem>>
      %dma_wait3A_115 = tpu.memref_squeeze %dma_wait3A_114 : memref<1x64xi32, #tpu.memory_space<vmem>> -> memref<64xi32, #tpu.memory_space<vmem>>
      %dma_wait3A_116 = arith.constant 0 : i32
      %dma_wait3A_117 = arith.constant 0 : i32
      %dma_wait3A_118 = tpu.memref_slice %arg3[%dma_wait3A_116, %dma_wait3A_117] : memref<100000x128xf32, #tpu.memory_space<hbm>> -> memref<100000x128xf32, #tpu.memory_space<hbm>>
      tpu.wait_indirect_dma semaphore(%arg20 : memref<!tpu.dma_semaphore, #tpu.memory_space<semaphore_mem>>) src(%dma_wait3A_118 : memref<100000x128xf32, #tpu.memory_space<hbm>>) dst(%arg12 : memref<64x128xf32, #tpu.memory_space<vmem>>)
      %mul3A_119 = arith.constant 64 : i32
      %mul3A_120 = arith.muli %add3A_106, %mul3A_119 : i32
      %add3A_121 = arith.addi %mul3A_2, %mul3A_120 : i32
      %dma_start3A_122 = arith.constant 0 : i32
      %dma_start3A_123 = tpu.memref_slice %arg5[%add3A_121, %dma_start3A_122] : memref<204800x300xf32, #tpu.memory_space<hbm>> -> memref<64x256xf32, #tpu.memory_space<hbm>>
      %dma_start3A_124 = arith.constant 0 : i32
      %dma_start3A_125 = tpu.memref_slice %arg5[%add3A_121, %dma_start3A_124] : memref<204800x300xf32, #tpu.memory_space<hbm>> -> memref<64x256xf32, #tpu.memory_space<hbm>>
      tpu.enqueue_dma source(%arg8 : memref<64x256xf32, #tpu.memory_space<vmem>>) target(%dma_start3A_125 : memref<64x256xf32, #tpu.memory_space<hbm>>) target_semaphore(%arg24 : memref<!tpu.dma_semaphore, #tpu.memory_space<semaphore_mem>>)
      %dma_start3A_126 = arith.constant 0 : i32
      %dma_start3A_127 = tpu.memref_slice %arg6[%add3A_121, %dma_start3A_126] : memref<204800x128xf32, #tpu.memory_space<hbm>> -> memref<64x128xf32, #tpu.memory_space<hbm>>
      %dma_start3A_128 = arith.constant 0 : i32
      %dma_start3A_129 = tpu.memref_slice %arg6[%add3A_121, %dma_start3A_128] : memref<204800x128xf32, #tpu.memory_space<hbm>> -> memref<64x128xf32, #tpu.memory_space<hbm>>
      tpu.enqueue_dma source(%arg12 : memref<64x128xf32, #tpu.memory_space<vmem>>) target(%dma_start3A_129 : memref<64x128xf32, #tpu.memory_space<hbm>>) target_semaphore(%arg28 : memref<!tpu.dma_semaphore, #tpu.memory_space<semaphore_mem>>)
      %mul3A_130 = arith.constant 4 : i32
      %mul3A_131 = arith.muli %mul3A_130, %scan3A_102 : i32
      %add3A_132 = arith.constant 1 : i32
      %add3A_133 = arith.addi %mul3A_131, %add3A_132 : i32
      %dma_wait3A_134 = arith.constant 0 : i32
      %dma_wait3A_135 = tpu.memref_slice %arg7[%add3A_133, %dma_wait3A_134] : memref<100x64xi32, #tpu.memory_space<vmem>> -> memref<1x64xi32, #tpu.memory_space<vmem>>
      %dma_wait3A_136 = tpu.memref_squeeze %dma_wait3A_135 : memref<1x64xi32, #tpu.memory_space<vmem>> -> memref<64xi32, #tpu.memory_space<vmem>>
      %dma_wait3A_137 = arith.constant 0 : i32
      %dma_wait3A_138 = arith.constant 0 : i32
      %dma_wait3A_139 = tpu.memref_slice %arg2[%dma_wait3A_137, %dma_wait3A_138] : memref<100000x300xf32, #tpu.memory_space<hbm>> -> memref<100000x256xf32, #tpu.memory_space<hbm>>
      tpu.wait_indirect_dma semaphore(%arg17 : memref<!tpu.dma_semaphore, #tpu.memory_space<semaphore_mem>>) src(%dma_wait3A_139 : memref<100000x256xf32, #tpu.memory_space<hbm>>) dst(%arg9 : memref<64x256xf32, #tpu.memory_space<vmem>>)
      %dma_wait3A_140 = arith.constant 0 : i32
      %dma_wait3A_141 = tpu.memref_slice %arg7[%add3A_133, %dma_wait3A_140] : memref<100x64xi32, #tpu.memory_space<vmem>> -> memref<1x64xi32, #tpu.memory_space<vmem>>
      %dma_wait3A_142 = tpu.memref_squeeze %dma_wait3A_141 : memref<1x64xi32, #tpu.memory_space<vmem>> -> memref<64xi32, #tpu.memory_space<vmem>>
      %dma_wait3A_143 = arith.constant 0 : i32
      %dma_wait3A_144 = arith.constant 0 : i32
      %dma_wait3A_145 = tpu.memref_slice %arg3[%dma_wait3A_143, %dma_wait3A_144] : memref<100000x128xf32, #tpu.memory_space<hbm>> -> memref<100000x128xf32, #tpu.memory_space<hbm>>
      tpu.wait_indirect_dma semaphore(%arg21 : memref<!tpu.dma_semaphore, #tpu.memory_space<semaphore_mem>>) src(%dma_wait3A_145 : memref<100000x128xf32, #tpu.memory_space<hbm>>) dst(%arg13 : memref<64x128xf32, #tpu.memory_space<vmem>>)
      %mul3A_146 = arith.constant 64 : i32
      %mul3A_147 = arith.muli %add3A_133, %mul3A_146 : i32
      %add3A_148 = arith.addi %mul3A_2, %mul3A_147 : i32
      %dma_start3A_149 = arith.constant 0 : i32
      %dma_start3A_150 = tpu.memref_slice %arg5[%add3A_148, %dma_start3A_149] : memref<204800x300xf32, #tpu.memory_space<hbm>> -> memref<64x256xf32, #tpu.memory_space<hbm>>
      %dma_start3A_151 = arith.constant 0 : i32
      %dma_start3A_152 = tpu.memref_slice %arg5[%add3A_148, %dma_start3A_151] : memref<204800x300xf32, #tpu.memory_space<hbm>> -> memref<64x256xf32, #tpu.memory_space<hbm>>
      tpu.enqueue_dma source(%arg9 : memref<64x256xf32, #tpu.memory_space<vmem>>) target(%dma_start3A_152 : memref<64x256xf32, #tpu.memory_space<hbm>>) target_semaphore(%arg25 : memref<!tpu.dma_semaphore, #tpu.memory_space<semaphore_mem>>)
      %dma_start3A_153 = arith.constant 0 : i32
      %dma_start3A_154 = tpu.memref_slice %arg6[%add3A_148, %dma_start3A_153] : memref<204800x128xf32, #tpu.memory_space<hbm>> -> memref<64x128xf32, #tpu.memory_space<hbm>>
      %dma_start3A_155 = arith.constant 0 : i32
      %dma_start3A_156 = tpu.memref_slice %arg6[%add3A_148, %dma_start3A_155] : memref<204800x128xf32, #tpu.memory_space<hbm>> -> memref<64x128xf32, #tpu.memory_space<hbm>>
      tpu.enqueue_dma source(%arg13 : memref<64x128xf32, #tpu.memory_space<vmem>>) target(%dma_start3A_156 : memref<64x128xf32, #tpu.memory_space<hbm>>) target_semaphore(%arg29 : memref<!tpu.dma_semaphore, #tpu.memory_space<semaphore_mem>>)
      %mul3A_157 = arith.constant 4 : i32
      %mul3A_158 = arith.muli %mul3A_157, %scan3A_102 : i32
      %add3A_159 = arith.constant 2 : i32
      %add3A_160 = arith.addi %mul3A_158, %add3A_159 : i32
      %dma_wait3A_161 = arith.constant 0 : i32
      %dma_wait3A_162 = tpu.memref_slice %arg7[%add3A_160, %dma_wait3A_161] : memref<100x64xi32, #tpu.memory_space<vmem>> -> memref<1x64xi32, #tpu.memory_space<vmem>>
      %dma_wait3A_163 = tpu.memref_squeeze %dma_wait3A_162 : memref<1x64xi32, #tpu.memory_space<vmem>> -> memref<64xi32, #tpu.memory_space<vmem>>
      %dma_wait3A_164 = arith.constant 0 : i32
      %dma_wait3A_165 = arith.constant 0 : i32
      %dma_wait3A_166 = tpu.memref_slice %arg2[%dma_wait3A_164, %dma_wait3A_165] : memref<100000x300xf32, #tpu.memory_space<hbm>> -> memref<100000x256xf32, #tpu.memory_space<hbm>>
      tpu.wait_indirect_dma semaphore(%arg18 : memref<!tpu.dma_semaphore, #tpu.memory_space<semaphore_mem>>) src(%dma_wait3A_166 : memref<100000x256xf32, #tpu.memory_space<hbm>>) dst(%arg10 : memref<64x256xf32, #tpu.memory_space<vmem>>)
      %dma_wait3A_167 = arith.constant 0 : i32
      %dma_wait3A_168 = tpu.memref_slice %arg7[%add3A_160, %dma_wait3A_167] : memref<100x64xi32, #tpu.memory_space<vmem>> -> memref<1x64xi32, #tpu.memory_space<vmem>>
      %dma_wait3A_169 = tpu.memref_squeeze %dma_wait3A_168 : memref<1x64xi32, #tpu.memory_space<vmem>> -> memref<64xi32, #tpu.memory_space<vmem>>
      %dma_wait3A_170 = arith.constant 0 : i32
      %dma_wait3A_171 = arith.constant 0 : i32
      %dma_wait3A_172 = tpu.memref_slice %arg3[%dma_wait3A_170, %dma_wait3A_171] : memref<100000x128xf32, #tpu.memory_space<hbm>> -> memref<100000x128xf32, #tpu.memory_space<hbm>>
      tpu.wait_indirect_dma semaphore(%arg22 : memref<!tpu.dma_semaphore, #tpu.memory_space<semaphore_mem>>) src(%dma_wait3A_172 : memref<100000x128xf32, #tpu.memory_space<hbm>>) dst(%arg14 : memref<64x128xf32, #tpu.memory_space<vmem>>)
      %mul3A_173 = arith.constant 64 : i32
      %mul3A_174 = arith.muli %add3A_160, %mul3A_173 : i32
      %add3A_175 = arith.addi %mul3A_2, %mul3A_174 : i32
      %dma_start3A_176 = arith.constant 0 : i32
      %dma_start3A_177 = tpu.memref_slice %arg5[%add3A_175, %dma_start3A_176] : memref<204800x300xf32, #tpu.memory_space<hbm>> -> memref<64x256xf32, #tpu.memory_space<hbm>>
      %dma_start3A_178 = arith.constant 0 : i32
      %dma_start3A_179 = tpu.memref_slice %arg5[%add3A_175, %dma_start3A_178] : memref<204800x300xf32, #tpu.memory_space<hbm>> -> memref<64x256xf32, #tpu.memory_space<hbm>>
      tpu.enqueue_dma source(%arg10 : memref<64x256xf32, #tpu.memory_space<vmem>>) target(%dma_start3A_179 : memref<64x256xf32, #tpu.memory_space<hbm>>) target_semaphore(%arg26 : memref<!tpu.dma_semaphore, #tpu.memory_space<semaphore_mem>>)
      %dma_start3A_180 = arith.constant 0 : i32
      %dma_start3A_181 = tpu.memref_slice %arg6[%add3A_175, %dma_start3A_180] : memref<204800x128xf32, #tpu.memory_space<hbm>> -> memref<64x128xf32, #tpu.memory_space<hbm>>
      %dma_start3A_182 = arith.constant 0 : i32
      %dma_start3A_183 = tpu.memref_slice %arg6[%add3A_175, %dma_start3A_182] : memref<204800x128xf32, #tpu.memory_space<hbm>> -> memref<64x128xf32, #tpu.memory_space<hbm>>
      tpu.enqueue_dma source(%arg14 : memref<64x128xf32, #tpu.memory_space<vmem>>) target(%dma_start3A_183 : memref<64x128xf32, #tpu.memory_space<hbm>>) target_semaphore(%arg30 : memref<!tpu.dma_semaphore, #tpu.memory_space<semaphore_mem>>)
      %mul3A_184 = arith.constant 4 : i32
      %mul3A_185 = arith.muli %mul3A_184, %scan3A_102 : i32
      %add3A_186 = arith.constant 3 : i32
      %add3A_187 = arith.addi %mul3A_185, %add3A_186 : i32
      %dma_wait3A_188 = arith.constant 0 : i32
      %dma_wait3A_189 = tpu.memref_slice %arg7[%add3A_187, %dma_wait3A_188] : memref<100x64xi32, #tpu.memory_space<vmem>> -> memref<1x64xi32, #tpu.memory_space<vmem>>
      %dma_wait3A_190 = tpu.memref_squeeze %dma_wait3A_189 : memref<1x64xi32, #tpu.memory_space<vmem>> -> memref<64xi32, #tpu.memory_space<vmem>>
      %dma_wait3A_191 = arith.constant 0 : i32
      %dma_wait3A_192 = arith.constant 0 : i32
      %dma_wait3A_193 = tpu.memref_slice %arg2[%dma_wait3A_191, %dma_wait3A_192] : memref<100000x300xf32, #tpu.memory_space<hbm>> -> memref<100000x256xf32, #tpu.memory_space<hbm>>
      tpu.wait_indirect_dma semaphore(%arg19 : memref<!tpu.dma_semaphore, #tpu.memory_space<semaphore_mem>>) src(%dma_wait3A_193 : memref<100000x256xf32, #tpu.memory_space<hbm>>) dst(%arg11 : memref<64x256xf32, #tpu.memory_space<vmem>>)
      %dma_wait3A_194 = arith.constant 0 : i32
      %dma_wait3A_195 = tpu.memref_slice %arg7[%add3A_187, %dma_wait3A_194] : memref<100x64xi32, #tpu.memory_space<vmem>> -> memref<1x64xi32, #tpu.memory_space<vmem>>
      %dma_wait3A_196 = tpu.memref_squeeze %dma_wait3A_195 : memref<1x64xi32, #tpu.memory_space<vmem>> -> memref<64xi32, #tpu.memory_space<vmem>>
      %dma_wait3A_197 = arith.constant 0 : i32
      %dma_wait3A_198 = arith.constant 0 : i32
      %dma_wait3A_199 = tpu.memref_slice %arg3[%dma_wait3A_197, %dma_wait3A_198] : memref<100000x128xf32, #tpu.memory_space<hbm>> -> memref<100000x128xf32, #tpu.memory_space<hbm>>
      tpu.wait_indirect_dma semaphore(%arg23 : memref<!tpu.dma_semaphore, #tpu.memory_space<semaphore_mem>>) src(%dma_wait3A_199 : memref<100000x128xf32, #tpu.memory_space<hbm>>) dst(%arg15 : memref<64x128xf32, #tpu.memory_space<vmem>>)
      %mul3A_200 = arith.constant 64 : i32
      %mul3A_201 = arith.muli %add3A_187, %mul3A_200 : i32
      %add3A_202 = arith.addi %mul3A_2, %mul3A_201 : i32
      %dma_start3A_203 = arith.constant 0 : i32
      %dma_start3A_204 = tpu.memref_slice %arg5[%add3A_202, %dma_start3A_203] : memref<204800x300xf32, #tpu.memory_space<hbm>> -> memref<64x256xf32, #tpu.memory_space<hbm>>
      %dma_start3A_205 = arith.constant 0 : i32
      %dma_start3A_206 = tpu.memref_slice %arg5[%add3A_202, %dma_start3A_205] : memref<204800x300xf32, #tpu.memory_space<hbm>> -> memref<64x256xf32, #tpu.memory_space<hbm>>
      tpu.enqueue_dma source(%arg11 : memref<64x256xf32, #tpu.memory_space<vmem>>) target(%dma_start3A_206 : memref<64x256xf32, #tpu.memory_space<hbm>>) target_semaphore(%arg27 : memref<!tpu.dma_semaphore, #tpu.memory_space<semaphore_mem>>)
      %dma_start3A_207 = arith.constant 0 : i32
      %dma_start3A_208 = tpu.memref_slice %arg6[%add3A_202, %dma_start3A_207] : memref<204800x128xf32, #tpu.memory_space<hbm>> -> memref<64x128xf32, #tpu.memory_space<hbm>>
      %dma_start3A_209 = arith.constant 0 : i32
      %dma_start3A_210 = tpu.memref_slice %arg6[%add3A_202, %dma_start3A_209] : memref<204800x128xf32, #tpu.memory_space<hbm>> -> memref<64x128xf32, #tpu.memory_space<hbm>>
      tpu.enqueue_dma source(%arg15 : memref<64x128xf32, #tpu.memory_space<vmem>>) target(%dma_start3A_210 : memref<64x128xf32, #tpu.memory_space<hbm>>) target_semaphore(%arg31 : memref<!tpu.dma_semaphore, #tpu.memory_space<semaphore_mem>>)
      %mul3A_211 = arith.constant 4 : i32
      %mul3A_212 = arith.muli %mul3A_211, %scan3A_102 : i32
      %add3A_213 = arith.constant 0 : i32
      %add3A_214 = arith.addi %mul3A_212, %add3A_213 : i32
      %add3A_215 = arith.constant 4 : i32
      %add3A_216 = arith.addi %add3A_214, %add3A_215 : i32
      %lt3A = arith.constant 100 : i32
      %lt3A_217 = arith.cmpi slt, %add3A_216, %lt3A : i32
      %convert_element_type3A = arith.extui %lt3A_217 : i1 to i32
      %cond3A = arith.constant 0 : i32
      %cond3A_218 = arith.cmpi ne, %convert_element_type3A, %cond3A : i32
      scf.if %cond3A_218 {
        %mul3A_252 = arith.constant 64 : i32
        %mul3A_253 = arith.muli %add3A_214, %mul3A_252 : i32
        %add3A_254 = arith.addi %mul3A_2, %mul3A_253 : i32
        %dma_wait3A_255 = arith.constant 0 : i32
        %dma_wait3A_256 = tpu.memref_slice %arg5[%add3A_254, %dma_wait3A_255] : memref<204800x300xf32, #tpu.memory_space<hbm>> -> memref<64x256xf32, #tpu.memory_space<hbm>>
        %dma_wait3A_257 = arith.constant 0 : i32
        %dma_wait3A_258 = tpu.memref_slice %arg5[%add3A_254, %dma_wait3A_257] : memref<204800x300xf32, #tpu.memory_space<hbm>> -> memref<64x256xf32, #tpu.memory_space<hbm>>
        tpu.wait_dma2 semaphore(%arg24 : memref<!tpu.dma_semaphore, #tpu.memory_space<semaphore_mem>>) src(%arg8 : memref<64x256xf32, #tpu.memory_space<vmem>>) dst(%dma_wait3A_258 : memref<64x256xf32, #tpu.memory_space<hbm>>)
        %dma_wait3A_259 = arith.constant 0 : i32
        %dma_wait3A_260 = tpu.memref_slice %arg6[%add3A_254, %dma_wait3A_259] : memref<204800x128xf32, #tpu.memory_space<hbm>> -> memref<64x128xf32, #tpu.memory_space<hbm>>
        %dma_wait3A_261 = arith.constant 0 : i32
        %dma_wait3A_262 = tpu.memref_slice %arg6[%add3A_254, %dma_wait3A_261] : memref<204800x128xf32, #tpu.memory_space<hbm>> -> memref<64x128xf32, #tpu.memory_space<hbm>>
        tpu.wait_dma2 semaphore(%arg28 : memref<!tpu.dma_semaphore, #tpu.memory_space<semaphore_mem>>) src(%arg12 : memref<64x128xf32, #tpu.memory_space<vmem>>) dst(%dma_wait3A_262 : memref<64x128xf32, #tpu.memory_space<hbm>>)
        %add3A_263 = arith.constant 4 : i32
        %add3A_264 = arith.addi %add3A_214, %add3A_263 : i32
        %dma_start3A_265 = arith.constant 0 : i32
        %dma_start3A_266 = tpu.memref_slice %arg7[%add3A_264, %dma_start3A_265] : memref<100x64xi32, #tpu.memory_space<vmem>> -> memref<1x64xi32, #tpu.memory_space<vmem>>
        %dma_start3A_267 = tpu.memref_squeeze %dma_start3A_266 : memref<1x64xi32, #tpu.memory_space<vmem>> -> memref<64xi32, #tpu.memory_space<vmem>>
        %dma_start3A_268 = arith.constant 0 : i32
        %dma_start3A_269 = arith.constant 0 : i32
        %dma_start3A_270 = tpu.memref_slice %arg2[%dma_start3A_268, %dma_start3A_269] : memref<100000x300xf32, #tpu.memory_space<hbm>> -> memref<100000x256xf32, #tpu.memory_space<hbm>>
        tpu.enqueue_indirect_dma source(%dma_start3A_270 : memref<100000x256xf32, #tpu.memory_space<hbm>>) target(%arg8 : memref<64x256xf32, #tpu.memory_space<vmem>>) offsets(%dma_start3A_267 : memref<64xi32, #tpu.memory_space<vmem>>) semaphore(%arg16 : memref<!tpu.dma_semaphore, #tpu.memory_space<semaphore_mem>>)
        %dma_start3A_271 = arith.constant 0 : i32
        %dma_start3A_272 = tpu.memref_slice %arg7[%add3A_264, %dma_start3A_271] : memref<100x64xi32, #tpu.memory_space<vmem>> -> memref<1x64xi32, #tpu.memory_space<vmem>>
        %dma_start3A_273 = tpu.memref_squeeze %dma_start3A_272 : memref<1x64xi32, #tpu.memory_space<vmem>> -> memref<64xi32, #tpu.memory_space<vmem>>
        %dma_start3A_274 = arith.constant 0 : i32
        %dma_start3A_275 = arith.constant 0 : i32
        %dma_start3A_276 = tpu.memref_slice %arg3[%dma_start3A_274, %dma_start3A_275] : memref<100000x128xf32, #tpu.memory_space<hbm>> -> memref<100000x128xf32, #tpu.memory_space<hbm>>
        tpu.enqueue_indirect_dma source(%dma_start3A_276 : memref<100000x128xf32, #tpu.memory_space<hbm>>) target(%arg12 : memref<64x128xf32, #tpu.memory_space<vmem>>) offsets(%dma_start3A_273 : memref<64xi32, #tpu.memory_space<vmem>>) semaphore(%arg20 : memref<!tpu.dma_semaphore, #tpu.memory_space<semaphore_mem>>)
      } else {
      }
      %mul3A_219 = arith.constant 4 : i32
      %mul3A_220 = arith.muli %mul3A_219, %scan3A_102 : i32
      %add3A_221 = arith.constant 1 : i32
      %add3A_222 = arith.addi %mul3A_220, %add3A_221 : i32
      %add3A_223 = arith.constant 4 : i32
      %add3A_224 = arith.addi %add3A_222, %add3A_223 : i32
      %lt3A_225 = arith.constant 100 : i32
      %lt3A_226 = arith.cmpi slt, %add3A_224, %lt3A_225 : i32
      %convert_element_type3A_227 = arith.extui %lt3A_226 : i1 to i32
      %cond3A_228 = arith.constant 0 : i32
      %cond3A_229 = arith.cmpi ne, %convert_element_type3A_227, %cond3A_228 : i32
      scf.if %cond3A_229 {
        %mul3A_252 = arith.constant 64 : i32
        %mul3A_253 = arith.muli %add3A_222, %mul3A_252 : i32
        %add3A_254 = arith.addi %mul3A_2, %mul3A_253 : i32
        %dma_wait3A_255 = arith.constant 0 : i32
        %dma_wait3A_256 = tpu.memref_slice %arg5[%add3A_254, %dma_wait3A_255] : memref<204800x300xf32, #tpu.memory_space<hbm>> -> memref<64x256xf32, #tpu.memory_space<hbm>>
        %dma_wait3A_257 = arith.constant 0 : i32
        %dma_wait3A_258 = tpu.memref_slice %arg5[%add3A_254, %dma_wait3A_257] : memref<204800x300xf32, #tpu.memory_space<hbm>> -> memref<64x256xf32, #tpu.memory_space<hbm>>
        tpu.wait_dma2 semaphore(%arg25 : memref<!tpu.dma_semaphore, #tpu.memory_space<semaphore_mem>>) src(%arg9 : memref<64x256xf32, #tpu.memory_space<vmem>>) dst(%dma_wait3A_258 : memref<64x256xf32, #tpu.memory_space<hbm>>)
        %dma_wait3A_259 = arith.constant 0 : i32
        %dma_wait3A_260 = tpu.memref_slice %arg6[%add3A_254, %dma_wait3A_259] : memref<204800x128xf32, #tpu.memory_space<hbm>> -> memref<64x128xf32, #tpu.memory_space<hbm>>
        %dma_wait3A_261 = arith.constant 0 : i32
        %dma_wait3A_262 = tpu.memref_slice %arg6[%add3A_254, %dma_wait3A_261] : memref<204800x128xf32, #tpu.memory_space<hbm>> -> memref<64x128xf32, #tpu.memory_space<hbm>>
        tpu.wait_dma2 semaphore(%arg29 : memref<!tpu.dma_semaphore, #tpu.memory_space<semaphore_mem>>) src(%arg13 : memref<64x128xf32, #tpu.memory_space<vmem>>) dst(%dma_wait3A_262 : memref<64x128xf32, #tpu.memory_space<hbm>>)
        %add3A_263 = arith.constant 4 : i32
        %add3A_264 = arith.addi %add3A_222, %add3A_263 : i32
        %dma_start3A_265 = arith.constant 0 : i32
        %dma_start3A_266 = tpu.memref_slice %arg7[%add3A_264, %dma_start3A_265] : memref<100x64xi32, #tpu.memory_space<vmem>> -> memref<1x64xi32, #tpu.memory_space<vmem>>
        %dma_start3A_267 = tpu.memref_squeeze %dma_start3A_266 : memref<1x64xi32, #tpu.memory_space<vmem>> -> memref<64xi32, #tpu.memory_space<vmem>>
        %dma_start3A_268 = arith.constant 0 : i32
        %dma_start3A_269 = arith.constant 0 : i32
        %dma_start3A_270 = tpu.memref_slice %arg2[%dma_start3A_268, %dma_start3A_269] : memref<100000x300xf32, #tpu.memory_space<hbm>> -> memref<100000x256xf32, #tpu.memory_space<hbm>>
        tpu.enqueue_indirect_dma source(%dma_start3A_270 : memref<100000x256xf32, #tpu.memory_space<hbm>>) target(%arg9 : memref<64x256xf32, #tpu.memory_space<vmem>>) offsets(%dma_start3A_267 : memref<64xi32, #tpu.memory_space<vmem>>) semaphore(%arg17 : memref<!tpu.dma_semaphore, #tpu.memory_space<semaphore_mem>>)
        %dma_start3A_271 = arith.constant 0 : i32
        %dma_start3A_272 = tpu.memref_slice %arg7[%add3A_264, %dma_start3A_271] : memref<100x64xi32, #tpu.memory_space<vmem>> -> memref<1x64xi32, #tpu.memory_space<vmem>>
        %dma_start3A_273 = tpu.memref_squeeze %dma_start3A_272 : memref<1x64xi32, #tpu.memory_space<vmem>> -> memref<64xi32, #tpu.memory_space<vmem>>
        %dma_start3A_274 = arith.constant 0 : i32
        %dma_start3A_275 = arith.constant 0 : i32
        %dma_start3A_276 = tpu.memref_slice %arg3[%dma_start3A_274, %dma_start3A_275] : memref<100000x128xf32, #tpu.memory_space<hbm>> -> memref<100000x128xf32, #tpu.memory_space<hbm>>
        tpu.enqueue_indirect_dma source(%dma_start3A_276 : memref<100000x128xf32, #tpu.memory_space<hbm>>) target(%arg13 : memref<64x128xf32, #tpu.memory_space<vmem>>) offsets(%dma_start3A_273 : memref<64xi32, #tpu.memory_space<vmem>>) semaphore(%arg21 : memref<!tpu.dma_semaphore, #tpu.memory_space<semaphore_mem>>)
      } else {
      }
      %mul3A_230 = arith.constant 4 : i32
      %mul3A_231 = arith.muli %mul3A_230, %scan3A_102 : i32
      %add3A_232 = arith.constant 2 : i32
      %add3A_233 = arith.addi %mul3A_231, %add3A_232 : i32
      %add3A_234 = arith.constant 4 : i32
      %add3A_235 = arith.addi %add3A_233, %add3A_234 : i32
      %lt3A_236 = arith.constant 100 : i32
      %lt3A_237 = arith.cmpi slt, %add3A_235, %lt3A_236 : i32
      %convert_element_type3A_238 = arith.extui %lt3A_237 : i1 to i32
      %cond3A_239 = arith.constant 0 : i32
      %cond3A_240 = arith.cmpi ne, %convert_element_type3A_238, %cond3A_239 : i32
      scf.if %cond3A_240 {
        %mul3A_252 = arith.constant 64 : i32
        %mul3A_253 = arith.muli %add3A_233, %mul3A_252 : i32
        %add3A_254 = arith.addi %mul3A_2, %mul3A_253 : i32
        %dma_wait3A_255 = arith.constant 0 : i32
        %dma_wait3A_256 = tpu.memref_slice %arg5[%add3A_254, %dma_wait3A_255] : memref<204800x300xf32, #tpu.memory_space<hbm>> -> memref<64x256xf32, #tpu.memory_space<hbm>>
        %dma_wait3A_257 = arith.constant 0 : i32
        %dma_wait3A_258 = tpu.memref_slice %arg5[%add3A_254, %dma_wait3A_257] : memref<204800x300xf32, #tpu.memory_space<hbm>> -> memref<64x256xf32, #tpu.memory_space<hbm>>
        tpu.wait_dma2 semaphore(%arg26 : memref<!tpu.dma_semaphore, #tpu.memory_space<semaphore_mem>>) src(%arg10 : memref<64x256xf32, #tpu.memory_space<vmem>>) dst(%dma_wait3A_258 : memref<64x256xf32, #tpu.memory_space<hbm>>)
        %dma_wait3A_259 = arith.constant 0 : i32
        %dma_wait3A_260 = tpu.memref_slice %arg6[%add3A_254, %dma_wait3A_259] : memref<204800x128xf32, #tpu.memory_space<hbm>> -> memref<64x128xf32, #tpu.memory_space<hbm>>
        %dma_wait3A_261 = arith.constant 0 : i32
        %dma_wait3A_262 = tpu.memref_slice %arg6[%add3A_254, %dma_wait3A_261] : memref<204800x128xf32, #tpu.memory_space<hbm>> -> memref<64x128xf32, #tpu.memory_space<hbm>>
        tpu.wait_dma2 semaphore(%arg30 : memref<!tpu.dma_semaphore, #tpu.memory_space<semaphore_mem>>) src(%arg14 : memref<64x128xf32, #tpu.memory_space<vmem>>) dst(%dma_wait3A_262 : memref<64x128xf32, #tpu.memory_space<hbm>>)
        %add3A_263 = arith.constant 4 : i32
        %add3A_264 = arith.addi %add3A_233, %add3A_263 : i32
        %dma_start3A_265 = arith.constant 0 : i32
        %dma_start3A_266 = tpu.memref_slice %arg7[%add3A_264, %dma_start3A_265] : memref<100x64xi32, #tpu.memory_space<vmem>> -> memref<1x64xi32, #tpu.memory_space<vmem>>
        %dma_start3A_267 = tpu.memref_squeeze %dma_start3A_266 : memref<1x64xi32, #tpu.memory_space<vmem>> -> memref<64xi32, #tpu.memory_space<vmem>>
        %dma_start3A_268 = arith.constant 0 : i32
        %dma_start3A_269 = arith.constant 0 : i32
        %dma_start3A_270 = tpu.memref_slice %arg2[%dma_start3A_268, %dma_start3A_269] : memref<100000x300xf32, #tpu.memory_space<hbm>> -> memref<100000x256xf32, #tpu.memory_space<hbm>>
        tpu.enqueue_indirect_dma source(%dma_start3A_270 : memref<100000x256xf32, #tpu.memory_space<hbm>>) target(%arg10 : memref<64x256xf32, #tpu.memory_space<vmem>>) offsets(%dma_start3A_267 : memref<64xi32, #tpu.memory_space<vmem>>) semaphore(%arg18 : memref<!tpu.dma_semaphore, #tpu.memory_space<semaphore_mem>>)
        %dma_start3A_271 = arith.constant 0 : i32
        %dma_start3A_272 = tpu.memref_slice %arg7[%add3A_264, %dma_start3A_271] : memref<100x64xi32, #tpu.memory_space<vmem>> -> memref<1x64xi32, #tpu.memory_space<vmem>>
        %dma_start3A_273 = tpu.memref_squeeze %dma_start3A_272 : memref<1x64xi32, #tpu.memory_space<vmem>> -> memref<64xi32, #tpu.memory_space<vmem>>
        %dma_start3A_274 = arith.constant 0 : i32
        %dma_start3A_275 = arith.constant 0 : i32
        %dma_start3A_276 = tpu.memref_slice %arg3[%dma_start3A_274, %dma_start3A_275] : memref<100000x128xf32, #tpu.memory_space<hbm>> -> memref<100000x128xf32, #tpu.memory_space<hbm>>
        tpu.enqueue_indirect_dma source(%dma_start3A_276 : memref<100000x128xf32, #tpu.memory_space<hbm>>) target(%arg14 : memref<64x128xf32, #tpu.memory_space<vmem>>) offsets(%dma_start3A_273 : memref<64xi32, #tpu.memory_space<vmem>>) semaphore(%arg22 : memref<!tpu.dma_semaphore, #tpu.memory_space<semaphore_mem>>)
      } else {
      }
      %mul3A_241 = arith.constant 4 : i32
      %mul3A_242 = arith.muli %mul3A_241, %scan3A_102 : i32
      %add3A_243 = arith.constant 3 : i32
      %add3A_244 = arith.addi %mul3A_242, %add3A_243 : i32
      %add3A_245 = arith.constant 4 : i32
      %add3A_246 = arith.addi %add3A_244, %add3A_245 : i32
      %lt3A_247 = arith.constant 100 : i32
      %lt3A_248 = arith.cmpi slt, %add3A_246, %lt3A_247 : i32
      %convert_element_type3A_249 = arith.extui %lt3A_248 : i1 to i32
      %cond3A_250 = arith.constant 0 : i32
      %cond3A_251 = arith.cmpi ne, %convert_element_type3A_249, %cond3A_250 : i32
      scf.if %cond3A_251 {
        %mul3A_252 = arith.constant 64 : i32
        %mul3A_253 = arith.muli %add3A_244, %mul3A_252 : i32
        %add3A_254 = arith.addi %mul3A_2, %mul3A_253 : i32
        %dma_wait3A_255 = arith.constant 0 : i32
        %dma_wait3A_256 = tpu.memref_slice %arg5[%add3A_254, %dma_wait3A_255] : memref<204800x300xf32, #tpu.memory_space<hbm>> -> memref<64x256xf32, #tpu.memory_space<hbm>>
        %dma_wait3A_257 = arith.constant 0 : i32
        %dma_wait3A_258 = tpu.memref_slice %arg5[%add3A_254, %dma_wait3A_257] : memref<204800x300xf32, #tpu.memory_space<hbm>> -> memref<64x256xf32, #tpu.memory_space<hbm>>
        tpu.wait_dma2 semaphore(%arg27 : memref<!tpu.dma_semaphore, #tpu.memory_space<semaphore_mem>>) src(%arg11 : memref<64x256xf32, #tpu.memory_space<vmem>>) dst(%dma_wait3A_258 : memref<64x256xf32, #tpu.memory_space<hbm>>)
        %dma_wait3A_259 = arith.constant 0 : i32
        %dma_wait3A_260 = tpu.memref_slice %arg6[%add3A_254, %dma_wait3A_259] : memref<204800x128xf32, #tpu.memory_space<hbm>> -> memref<64x128xf32, #tpu.memory_space<hbm>>
        %dma_wait3A_261 = arith.constant 0 : i32
        %dma_wait3A_262 = tpu.memref_slice %arg6[%add3A_254, %dma_wait3A_261] : memref<204800x128xf32, #tpu.memory_space<hbm>> -> memref<64x128xf32, #tpu.memory_space<hbm>>
        tpu.wait_dma2 semaphore(%arg31 : memref<!tpu.dma_semaphore, #tpu.memory_space<semaphore_mem>>) src(%arg15 : memref<64x128xf32, #tpu.memory_space<vmem>>) dst(%dma_wait3A_262 : memref<64x128xf32, #tpu.memory_space<hbm>>)
        %add3A_263 = arith.constant 4 : i32
        %add3A_264 = arith.addi %add3A_244, %add3A_263 : i32
        %dma_start3A_265 = arith.constant 0 : i32
        %dma_start3A_266 = tpu.memref_slice %arg7[%add3A_264, %dma_start3A_265] : memref<100x64xi32, #tpu.memory_space<vmem>> -> memref<1x64xi32, #tpu.memory_space<vmem>>
        %dma_start3A_267 = tpu.memref_squeeze %dma_start3A_266 : memref<1x64xi32, #tpu.memory_space<vmem>> -> memref<64xi32, #tpu.memory_space<vmem>>
        %dma_start3A_268 = arith.constant 0 : i32
        %dma_start3A_269 = arith.constant 0 : i32
        %dma_start3A_270 = tpu.memref_slice %arg2[%dma_start3A_268, %dma_start3A_269] : memref<100000x300xf32, #tpu.memory_space<hbm>> -> memref<100000x256xf32, #tpu.memory_space<hbm>>
        tpu.enqueue_indirect_dma source(%dma_start3A_270 : memref<100000x256xf32, #tpu.memory_space<hbm>>) target(%arg11 : memref<64x256xf32, #tpu.memory_space<vmem>>) offsets(%dma_start3A_267 : memref<64xi32, #tpu.memory_space<vmem>>) semaphore(%arg19 : memref<!tpu.dma_semaphore, #tpu.memory_space<semaphore_mem>>)
        %dma_start3A_271 = arith.constant 0 : i32
        %dma_start3A_272 = tpu.memref_slice %arg7[%add3A_264, %dma_start3A_271] : memref<100x64xi32, #tpu.memory_space<vmem>> -> memref<1x64xi32, #tpu.memory_space<vmem>>
        %dma_start3A_273 = tpu.memref_squeeze %dma_start3A_272 : memref<1x64xi32, #tpu.memory_space<vmem>> -> memref<64xi32, #tpu.memory_space<vmem>>
        %dma_start3A_274 = arith.constant 0 : i32
        %dma_start3A_275 = arith.constant 0 : i32
        %dma_start3A_276 = tpu.memref_slice %arg3[%dma_start3A_274, %dma_start3A_275] : memref<100000x128xf32, #tpu.memory_space<hbm>> -> memref<100000x128xf32, #tpu.memory_space<hbm>>
        tpu.enqueue_indirect_dma source(%dma_start3A_276 : memref<100000x128xf32, #tpu.memory_space<hbm>>) target(%arg15 : memref<64x128xf32, #tpu.memory_space<vmem>>) offsets(%dma_start3A_273 : memref<64xi32, #tpu.memory_space<vmem>>) semaphore(%arg23 : memref<!tpu.dma_semaphore, #tpu.memory_space<semaphore_mem>>)
      } else {
      }
    }
    %scan3A_62 = arith.constant 25 : i32
    %add3A_63 = arith.constant 6144 : i32
    %add3A_64 = arith.addi %mul3A_2, %add3A_63 : i32
    %dma_wait3A = arith.constant 0 : i32
    %dma_wait3A_65 = tpu.memref_slice %arg5[%add3A_64, %dma_wait3A] : memref<204800x300xf32, #tpu.memory_space<hbm>> -> memref<64x256xf32, #tpu.memory_space<hbm>>
    %dma_wait3A_66 = arith.constant 0 : i32
    %dma_wait3A_67 = tpu.memref_slice %arg5[%add3A_64, %dma_wait3A_66] : memref<204800x300xf32, #tpu.memory_space<hbm>> -> memref<64x256xf32, #tpu.memory_space<hbm>>
    tpu.wait_dma2 semaphore(%arg24 : memref<!tpu.dma_semaphore, #tpu.memory_space<semaphore_mem>>) src(%arg8 : memref<64x256xf32, #tpu.memory_space<vmem>>) dst(%dma_wait3A_67 : memref<64x256xf32, #tpu.memory_space<hbm>>)
    %dma_wait3A_68 = arith.constant 0 : i32
    %dma_wait3A_69 = tpu.memref_slice %arg6[%add3A_64, %dma_wait3A_68] : memref<204800x128xf32, #tpu.memory_space<hbm>> -> memref<64x128xf32, #tpu.memory_space<hbm>>
    %dma_wait3A_70 = arith.constant 0 : i32
    %dma_wait3A_71 = tpu.memref_slice %arg6[%add3A_64, %dma_wait3A_70] : memref<204800x128xf32, #tpu.memory_space<hbm>> -> memref<64x128xf32, #tpu.memory_space<hbm>>
    tpu.wait_dma2 semaphore(%arg28 : memref<!tpu.dma_semaphore, #tpu.memory_space<semaphore_mem>>) src(%arg12 : memref<64x128xf32, #tpu.memory_space<vmem>>) dst(%dma_wait3A_71 : memref<64x128xf32, #tpu.memory_space<hbm>>)
    %add3A_72 = arith.constant 6208 : i32
    %add3A_73 = arith.addi %mul3A_2, %add3A_72 : i32
    %dma_wait3A_74 = arith.constant 0 : i32
    %dma_wait3A_75 = tpu.memref_slice %arg5[%add3A_73, %dma_wait3A_74] : memref<204800x300xf32, #tpu.memory_space<hbm>> -> memref<64x256xf32, #tpu.memory_space<hbm>>
    %dma_wait3A_76 = arith.constant 0 : i32
    %dma_wait3A_77 = tpu.memref_slice %arg5[%add3A_73, %dma_wait3A_76] : memref<204800x300xf32, #tpu.memory_space<hbm>> -> memref<64x256xf32, #tpu.memory_space<hbm>>
    tpu.wait_dma2 semaphore(%arg25 : memref<!tpu.dma_semaphore, #tpu.memory_space<semaphore_mem>>) src(%arg9 : memref<64x256xf32, #tpu.memory_space<vmem>>) dst(%dma_wait3A_77 : memref<64x256xf32, #tpu.memory_space<hbm>>)
    %dma_wait3A_78 = arith.constant 0 : i32
    %dma_wait3A_79 = tpu.memref_slice %arg6[%add3A_73, %dma_wait3A_78] : memref<204800x128xf32, #tpu.memory_space<hbm>> -> memref<64x128xf32, #tpu.memory_space<hbm>>
    %dma_wait3A_80 = arith.constant 0 : i32
    %dma_wait3A_81 = tpu.memref_slice %arg6[%add3A_73, %dma_wait3A_80] : memref<204800x128xf32, #tpu.memory_space<hbm>> -> memref<64x128xf32, #tpu.memory_space<hbm>>
    tpu.wait_dma2 semaphore(%arg29 : memref<!tpu.dma_semaphore, #tpu.memory_space<semaphore_mem>>) src(%arg13 : memref<64x128xf32, #tpu.memory_space<vmem>>) dst(%dma_wait3A_81 : memref<64x128xf32, #tpu.memory_space<hbm>>)
    %add3A_82 = arith.constant 6272 : i32
    %add3A_83 = arith.addi %mul3A_2, %add3A_82 : i32
    %dma_wait3A_84 = arith.constant 0 : i32
    %dma_wait3A_85 = tpu.memref_slice %arg5[%add3A_83, %dma_wait3A_84] : memref<204800x300xf32, #tpu.memory_space<hbm>> -> memref<64x256xf32, #tpu.memory_space<hbm>>
    %dma_wait3A_86 = arith.constant 0 : i32
    %dma_wait3A_87 = tpu.memref_slice %arg5[%add3A_83, %dma_wait3A_86] : memref<204800x300xf32, #tpu.memory_space<hbm>> -> memref<64x256xf32, #tpu.memory_space<hbm>>
    tpu.wait_dma2 semaphore(%arg26 : memref<!tpu.dma_semaphore, #tpu.memory_space<semaphore_mem>>) src(%arg10 : memref<64x256xf32, #tpu.memory_space<vmem>>) dst(%dma_wait3A_87 : memref<64x256xf32, #tpu.memory_space<hbm>>)
    %dma_wait3A_88 = arith.constant 0 : i32
    %dma_wait3A_89 = tpu.memref_slice %arg6[%add3A_83, %dma_wait3A_88] : memref<204800x128xf32, #tpu.memory_space<hbm>> -> memref<64x128xf32, #tpu.memory_space<hbm>>
    %dma_wait3A_90 = arith.constant 0 : i32
    %dma_wait3A_91 = tpu.memref_slice %arg6[%add3A_83, %dma_wait3A_90] : memref<204800x128xf32, #tpu.memory_space<hbm>> -> memref<64x128xf32, #tpu.memory_space<hbm>>
    tpu.wait_dma2 semaphore(%arg30 : memref<!tpu.dma_semaphore, #tpu.memory_space<semaphore_mem>>) src(%arg14 : memref<64x128xf32, #tpu.memory_space<vmem>>) dst(%dma_wait3A_91 : memref<64x128xf32, #tpu.memory_space<hbm>>)
    %add3A_92 = arith.constant 6336 : i32
    %add3A_93 = arith.addi %mul3A_2, %add3A_92 : i32
    %dma_wait3A_94 = arith.constant 0 : i32
    %dma_wait3A_95 = tpu.memref_slice %arg5[%add3A_93, %dma_wait3A_94] : memref<204800x300xf32, #tpu.memory_space<hbm>> -> memref<64x256xf32, #tpu.memory_space<hbm>>
    %dma_wait3A_96 = arith.constant 0 : i32
    %dma_wait3A_97 = tpu.memref_slice %arg5[%add3A_93, %dma_wait3A_96] : memref<204800x300xf32, #tpu.memory_space<hbm>> -> memref<64x256xf32, #tpu.memory_space<hbm>>
    tpu.wait_dma2 semaphore(%arg27 : memref<!tpu.dma_semaphore, #tpu.memory_space<semaphore_mem>>) src(%arg11 : memref<64x256xf32, #tpu.memory_space<vmem>>) dst(%dma_wait3A_97 : memref<64x256xf32, #tpu.memory_space<hbm>>)
    %dma_wait3A_98 = arith.constant 0 : i32
    %dma_wait3A_99 = tpu.memref_slice %arg6[%add3A_93, %dma_wait3A_98] : memref<204800x128xf32, #tpu.memory_space<hbm>> -> memref<64x128xf32, #tpu.memory_space<hbm>>
    %dma_wait3A_100 = arith.constant 0 : i32
    %dma_wait3A_101 = tpu.memref_slice %arg6[%add3A_93, %dma_wait3A_100] : memref<204800x128xf32, #tpu.memory_space<hbm>> -> memref<64x128xf32, #tpu.memory_space<hbm>>
    tpu.wait_dma2 semaphore(%arg31 : memref<!tpu.dma_semaphore, #tpu.memory_space<semaphore_mem>>) src(%arg15 : memref<64x128xf32, #tpu.memory_space<vmem>>) dst(%dma_wait3A_101 : memref<64x128xf32, #tpu.memory_space<hbm>>)
    return
  }
}

</mosaic_0001>

<sc_bundles>
// kernel: kernel.3.cloned.1.call-start
scs
__scs_entry_jumppad:
0x0: {  	(pc) =	sbr.rel $0x88, $3  }
0x1: {  	(tag) =	ssettag $0x0;
	lr =	simm.s32 $0x1  }
0x2: {  	[smem:$0x3F9F] =	sst lr;
	_ =	strace $0xD0000000  }
0x3: {  	_ = 	snop  }
0x4: {  	_ = 	snop  }
0x5: {  	_ = 	snop  }
0x6: {  	_ = 	snop  }
0x7: {  	_ = 	snop  }
__scs_overlays_trampoline_lowered:
0x8: {  	[smem:$0x3FAE] =	sst s0  }
0x9: {  	[smem:$0x3FAF] =	sst s1  }
0xa: {  	[smem:$0x3FB0] =	sst s2  }
0xb: {  	[smem:$0x3FB1] =	sst s3  }
0xc: {  	[smem:$0x3FB2] =	sst s4  }
0xd: {  	[smem:$0x3FB3] =	sst s5  }
0xe: {  	[smem:$0x3FB4] =	sst s6  }
0xf: {  	[smem:$0x3FB5] =	sst s7  }
0x10: {  	[smem:$0x3FB6] =	sst s8  }
0x11: {  	[smem:$0x3FB7] =	sst s9;
	s0 =	simm.s32 @!p0 $0x0  }
0x12: {  	s1 =	sld [smem:$0x3F9D];
	s0 =	simm.s32 @p0 $0x1  }
0x13: {  	[smem:$0x3FB8] =	sst s0;
	s0 =	simm.s32 @!p1 $0x0  }
0x14: {  	s2 =	sld [smem:$0x3F9C];
	s0 =	simm.s32 @p1 $0x1  }
0x15: {  	[smem:$0x3FB9] =	sst s0;
	s0 =	simm.s32 @!p2 $0x0  }
0x16: {  	s3 =	sld [smem:$0x3FDB];
	s0 =	simm.s32 @p2 $0x1  }
0x17: {  	s4 =	simm.s32 $0x1BF5;
	[smem:$0x3FBB] =	sst s0  }
0x18: {  	s0 =	sld [smem:$0x3F9E];
	_ =	swait.ge [sflag:s4], $0x0  }
0x19: {  	s7 =	sld [smem:$0x3F9F]  }
0x1a: {  	s8 =	sadd.s32 $0xFFFFE003, lr  }
0x1b: {  	s9 =	sadd.s32 $0xFFFFFEF7, lr;
	s5 =	simm.s32 $0xFFFFFFFF;
	p2 =	slt.u32 s8, $0xFFFFF086  }
0x1c: {  	p1 =	slt.u32 s9, $0xF7A;
	s5 =	simm.s32 @!p2 $0x0  }
0x1d: {  	s5 =	simm.s32 @p1 $0x1;
	p0 =	seq.s32 s7, s2  }
0x1e: {  	s7 =	smul.u32 @!p0 $0xF7A, s2;
	p2 =	seq.s32 @!p0 s5, $0x0  }
0x1f: {  	s9 =	smul.u32 $0xF7A, s1;
	s8 =	simm.s32 @!p0 $0x1BF5;
	p2 =	por !p2, p0  }
0x20: {  	[sflag:s8] =	ssyncset.s32 @!p0 $0xFFFFF086;
	s6 =	sadd.s32 @!p0 s3, s7;
	s7 =	simm.s32 @!p0 $0x108  }
0x21: {  	s3 =	sadd.s32 s3, s9;
	s6 =	sadd.s32 @!p0 $0x88, s6;
	s7 =	simm.s32 @p2 $0x1082  }
0x22: {  	[simem:s7], [sflag:s8] =	dma.local @!p0 [hbm:s6], $0xF7A  }
0x23: {  	s9 =	sor.u32 $0xD0000000, s2;
	s6 =	simm.s32 $0x108;
	_ =	swait.ge @!p0 [sflag:s8], $0x0  }
0x24: {  	s3 =	sadd.s32 $0x88, s3;
	s6 =	simm.s32 @!p1 $0x1082;
	[sflag:s4] =	ssyncset.s32 $0xFFFFF086  }
0x25: {  	[simem:s6], [sflag:s4] =	dma.local [hbm:s3], $0xF7A  }
0x26: {  	[smem:$0x3F9F] =	sst s1;
	(tag) =	ssettag s2;
	_ =	strace s9  }
0x27: {  	s1 =	sld [smem:$0x3FAF]  }
0x28: {  	s2 =	sld [smem:$0x3FB0]  }
0x29: {  	s4 =	sld [smem:$0x3FB2]  }
0x2a: {  	p0 =	seq.s32 s5, $0x0;
	s5 =	sld [smem:$0x3FB3]  }
0x2b: {  	s6 =	sld [smem:$0x3FB4]  }
0x2c: {  	s7 =	sld [smem:$0x3FB5]  }
0x2d: {  	s3 =	simm.s32 $0x108;
	s8 =	sld [smem:$0x3FB6]  }
0x2e: {  	s3 =	simm.s32 @!p0 $0x1082;
	s9 =	sld [smem:$0x3FB7]  }
0x2f: {  	lr =	sadd.s32 s0, s3;
	s0 =	sld [smem:$0x3FAE]  }
0x30: {  	s3 =	sld [smem:$0x3FB1]  }
0x31: {  	[smem:$0x3FBA] =	sst s10  }
0x32: {  	s10 =	sld [smem:$0x3FB8];
	_ =	sdelay $0x3  }
0x33: {  	p0 =	seq.s32 s10, $0x1;
	s10 =	sld [smem:$0x3FBA];
	_ =	sdelay $0x3  }
0x34: {  	[smem:$0x3FBA] =	sst s10  }
0x35: {  	s10 =	sld [smem:$0x3FB9];
	_ =	sdelay $0x3  }
0x36: {  	p1 =	seq.s32 s10, $0x1;
	s10 =	sld [smem:$0x3FBA];
	_ =	sdelay $0x3  }
0x37: {  	[smem:$0x3FBA] =	sst s10  }
0x38: {  	s10 =	sld [smem:$0x3FBB]  }
0x39: {  	_ = 	snop;
	(pc) =	sbr.ind lr, $3  }
0x3a: {  	_ = 	snop  }
0x3b: {  	_ = 	snop  }
0x3c: {  	p2 =	seq.s32 s10, $0x1;
	s10 =	sld [smem:$0x3FBA]  }
0x3d: {  	_ =	shalt  }
0x3e: {  	_ =	shalt  }
0x3f: {  	_ =	shalt  }
0x40: {  	_ =	shalt  }
0x41: {  	_ =	shalt  }
0x42: {  	_ =	shalt  }
0x43: {  	_ =	shalt  }
0x44: {  	_ =	shalt  }
0x45: {  	_ =	shalt  }
0x46: {  	_ =	shalt  }
0x47: {  	_ =	shalt  }
0x48: {  	_ =	shalt  }
0x49: {  	_ =	shalt  }
0x4a: {  	_ =	shalt  }
0x4b: {  	_ =	shalt  }
0x4c: {  	_ =	shalt  }
0x4d: {  	_ =	shalt  }
0x4e: {  	_ =	shalt  }
0x4f: {  	_ =	shalt  }
0x50: {  	_ =	shalt  }
0x51: {  	_ =	shalt  }
0x52: {  	_ =	shalt  }
0x53: {  	_ =	shalt  }
0x54: {  	_ =	shalt  }
0x55: {  	_ =	shalt  }
0x56: {  	_ =	shalt  }
0x57: {  	_ =	shalt  }
0x58: {  	_ =	shalt  }
0x59: {  	_ =	shalt  }
0x5a: {  	_ =	shalt  }
0x5b: {  	_ =	shalt  }
0x5c: {  	_ =	shalt  }
0x5d: {  	_ =	shalt  }
0x5e: {  	_ =	shalt  }
0x5f: {  	_ =	shalt  }
0x60: {  	_ =	shalt  }
0x61: {  	_ =	shalt  }
0x62: {  	_ =	shalt  }
0x63: {  	_ =	shalt  }
0x64: {  	_ =	shalt  }
0x65: {  	_ =	shalt  }
0x66: {  	_ =	shalt  }
0x67: {  	_ =	shalt  }
0x68: {  	_ =	shalt  }
0x69: {  	_ =	shalt  }
0x6a: {  	_ =	shalt  }
0x6b: {  	_ =	shalt  }
0x6c: {  	_ =	shalt  }
0x6d: {  	_ =	shalt  }
0x6e: {  	_ =	shalt  }
0x6f: {  	_ =	shalt  }
0x70: {  	_ =	shalt  }
0x71: {  	_ =	shalt  }
0x72: {  	_ =	shalt  }
0x73: {  	_ =	shalt  }
0x74: {  	_ =	shalt  }
0x75: {  	_ =	shalt  }
0x76: {  	_ =	shalt  }
0x77: {  	_ =	shalt  }
0x78: {  	_ =	shalt  }
0x79: {  	_ =	shalt  }
0x7a: {  	_ =	shalt  }
0x7b: {  	_ =	shalt  }
0x7c: {  	_ =	shalt  }
0x7d: {  	_ =	shalt  }
0x7e: {  	_ =	shalt  }
0x7f: {  	_ =	shalt  }
0x80: {  	_ =	shalt  }
0x81: {  	_ =	shalt  }
0x82: {  	_ =	shalt  }
0x83: {  	_ =	shalt  }
0x84: {  	_ =	shalt  }
0x85: {  	_ =	shalt  }
0x86: {  	_ =	shalt  }
0x87: {  	_ =	shalt  }
.Lfunc_end0:
.L_simem_size_0:
called_computation.1_lowered:
.L_overlay_start_0:
0x88: {  	s2 =	sld [smem:$0x3FD9]  }
0x89: {  	s3 =	sld [smem:$0x3FFE];
	_ =	sdelay $0x1  }
0x8a: {  	s1 =	srdreg.scid  }
0x8b: {  	s0 =	sand.u32 $0x1, s1  }
0x8c: {  	s17 =	sshll.u32 s0, $0xA;
	s2 =	sadd.s32 s3, s2  }
0x8d: {  	s2 =	sadd.s32 s2, s17  }
0x8e: {  	[smem:$0x3FC6] =	sst s2  }
0x8f: {  	_ = 	snop  }
0x90: {  	s2 =	sld [smem:$0x3FD0];
	(tm) =	ssettm $0x1  }
0x91: {  	s18 =	sld [smem:$0x3FFB];
	_ =	sdelay $0x3  }
0x92: {  	_ =	strace s18  }
0x93: {  	s3 =	sld [smem:$0x3FFC];
	_ =	sdelay $0x3  }
0x94: {  	_ =	strace s3  }
0x95: {  	s3 =	sld [smem:$0x3FFD];
	_ =	sdelay $0x3  }
0x96: {  	_ =	strace s3  }
0x97: {  	_ =	strace $0x8FFFFFFF  }
0x98: {  	s19 =	sld [smem:$0x3FDB];
	_ =	sdelay $0x1  }
0x99: {  	s4 =	simm.s32 $_scs_section_size  }
0x9a: {  	s5 =	simm.s32 $_size__tile_overlayer_lowered;
	s6 =	simm.s32 $_tile_overlayer_lowered  }
0x9b: {  	s22 =	simm.s32 $0x1BFF;
	s21 =	sshll.u32 s6, $0x1;
	s3 =	sadd.s32 s4, s19  }
0x9c: {  	s7 =	simm.s32 $0x0;
	s20 =	sshll.u32 s5, $0x1;
	s5 =	sadd.s32 s21, s3  }
0x9d: {  	[timem:s7], [sflag:s22] =	dma.local [hbm:s5], s20  }
0x9e: {  	_ =	swait.ge [sflag:s22], s20  }
0x9f: {  	s4 =	ssub.s32 $0x0, s20;
	[sflag:s22] =	ssyncset.done $0x0  }
0xa0: {  	[sflag:s22] =	ssyncadd.s32 s4;
	_ =	sdelay $0x1  }
0xa1: {  	s23 =	simm.s32 $0x1B8B  }
0xa2: {  	_ =	swait.ge [sflag:s23], $0x1  }
0xa3: {  	[sflag:s23] =	ssyncset.done $0x0  }
0xa4: {  	s25 =	simm.s32 $0x1B8E;
	s24 =	sld [smem:$0x3FFE];
	[sflag:s23] =	ssyncadd.s32 $0xFFFFFFFF  }
0xa5: {  	s26 =	simm.s32 $execute0_lowered;
	[smem:$0x3FD2] =	sst s25  }
0xa6: {  	s5 =	sshll.u32 s26, $0x1;
	_ =	strace $0x80000046;
	[dreg:$0x1] =	wrdreg $0xFFFFFFFF  }
0xa7: {  	s28 =	simm.s32 $_size_execute0_lowered;
	s3 =	sadd.s32 s3, s5;
	[dreg:$0x0] =	wrdreg $0x0  }
0xa8: {  	s5 =	sshll.u32 s28, $0x1;
	[dreg:$0x2] =	wrdreg s3  }
0xa9: {  	[dreg:$0x3] =	wrdreg s5  }
0xaa: {  	[dreg:$0x4] =	wrdreg $0xC0  }
0xab: {  	_ =	task [dreg:s7], $0x5FFFF  }
0xac: {  	[dreg:$0x1] =	wrdreg $0xFFFFFFFF  }
0xad: {  	[dreg:$0x0] =	wrdreg $0x60  }
0xae: {  	[dreg:$0x2] =	wrdreg s2  }
0xaf: {  	[dreg:$0x3] =	wrdreg s24  }
0xb0: {  	[dreg:$0x4] =	wrdreg $0x9  }
0xb1: {  	_ =	task.clear_ibuf [dreg:s7], $0x5FFFF;
	_ =	strace $0x90000046  }
0xb2: {  	s29 =	simm.s32 $0x9;
	_ =	strace $0x80000048  }
0xb3: {  	_ =	swait.ge [sflag:s29], $0x1  }
0xb4: {  	[sflag:s29] =	ssyncadd.s32 $0xFFFFFFFF  }
0xb5: {  	_ =	strace $0x90000048  }
0xb6: {  	_ =	sfence  }
0xb7: {  	s30 =	sld [smem:$0x0];
	_ =	sdelay $0x2  }
0xb8: {  	s31 =	sshll.u32 s1, $0xD;
	s1 =	sshrl.u32 s1, $0x2  }
0xb9: {  	s3 =	sand.u32 $0x4000, s31;
	s1 =	sadd.s32 s1, s30  }
0xba: {  	s0 =	sor.u32 s3, s0;
	s1 =	sshll.u32 s1, $0x11  }
0xbb: {  	s0 =	sor.u32 s1, s0  }
0xbc: {  	s0 =	sadd.s32 $0x8F2B, s0  }
0xbd: {  	[sflag:s0] =	ssyncadd.remote.s32 $0x1  }
0xbe: {  	_ =	sfence.sel $0xFFFF  }
0xbf: {  	[dreg:$0x0] =	wrdreg $0xFFFFFFFF;
	(pc) =	sbr.abs _section_cstart, $3  }
0xc0: {  	[dreg:$0x1] =	wrdreg $0xFFFFFFFF  }
0xc1: {  	_ =	task.clear_ibuf [dreg:s7], $0x2FFFF;
	_ =	strace $0x9FFFFFFF  }
0xc2: {  	(tm) =	ssettm $0x7FFFFFFF  }
0xc3: {  	_ =	shalt  }
tec
execute0_lowered:
.L_overlay_start_1:
0x0: {  	(tag) =	ssettag $0x1  }
0x1: {  	s0 =	srdreg.scid;
	s2 =	rddreg [dreg:$0x0]  }
0x2: {  	s8 =	stileid.u32;
	s5 =	rddreg [dreg:$0x1]  }
0x3: {  	s3 =	simm.s32 $0x0;
	s14 =	simm.s32 $0x3400;
	s13 =	simm.s32 $0x15400  }
0x4: {  	s29 =	simm.s32 $0x800;
	s30 =	simm.s32 $0xC00;
	s15 =	simm.s32 $0xA  }
0x5: {  	s16 =	simm.s32 $0xE;
	s17 =	simm.s32 $0xB;
	s28 =	simm.s32 $0x15400  }
0x6: {  	s31 =	simm.s32 $0xB400;
	s0 =	sand.u32 $0x1, s0;
	s6 =	smul.u32 $0x3200, s8  }
0x7: {  	s1 =	sshll.u32 s8, $0x1;
	[smem:$0x7FF] =	sst s3;
	s8 =	smul.u32 $0x32000, s8  }
0x8: {  	s4 =	sadd.s32 $0x194600, s5;
	s9 =	sadd.s32 $0x31B000, s5;
	s7 =	smul.u32 $0x1900, s0  }
0x9: {  	s1 =	sor.u32 s0, s1;
	s18 =	ssub.s32 $0x2, s0;
	s0 =	smul.u32 $0x19000, s0  }
0xa: {  	_ =	strace $0x80000047;
	s1 =	smul.u32 $0x680, s1;
	s10 =	sshrl.u32 s18, $0x1  }
0xb: {  	s6 =	sadd.s32 s7, s6;
	s7 =	ssub.s32 s18, s10;
	s10 =	simm.s32 $0x9  }
0xc: {  	s18 =	simm.s32 $0xF;
	s1 =	sadd.s32 s1, s5;
	s5 =	sadd.s32 s8, s5  }
0xd: {  	s19 =	sshrl.u32 s6, $0x3;
	s11 =	sor.u32 $0x40, s6;
	s12 =	sor.u32 $0x80, s6  }
0xe: {  	s6 =	sor.u32 $0xC0, s6;
	s22 =	smax.u32 s7, $0x1;
	s7 =	simm.s32 $0x19400  }
0xf: {  	s8 =	smul.u32 $0x180, s19;
	s11 =	sshrl.u32 s11, $0x3;
	s12 =	sshrl.u32 s12, $0x3  }
0x10: {  	s6 =	sshrl.u32 s6, $0x3;
	s1 =	sadd.s32 $0xC00, s1;
	s0 =	sadd.s32 s0, s5  }
0x11: {  	[dreg:$0x4] =	wrdreg s22;
	s22 =	simm.s32 $0xB400;
	s11 =	smul.u32 $0x180, s11  }
0x12: {  	s5 =	simm.s32 $0x17400;
	s19 =	simm.s32 $0xC;
	s20 =	smul.u32 $0x180, s12  }
0x13: {  	[dreg:$0x3] =	wrdreg s1;
	s21 =	smul.u32 $0x180, s6;
	s0 =	sadd.s32 $0xC7BC00, s0  }
0x14: {  	s1 =	simm.s32 $0x13400;
	s12 =	simm.s32 $0x7400;
	s6 =	simm.s32 $0xF400  }
0x15: {  	s23 =	sadd.s32 s8, s9;
	[dreg:$0x6] =	wrdreg s0;
	s8 =	simm.s32 $0x4  }
.Ltmp0:
0x16: {  	[dreg:$0x5] =	wrdreg s23;
	s24 =	sadd.s32 s11, s9;
	(pc) =	sbr.rel .LBB2_1-.Ltmp0, $4  }
0x17: {  	s25 =	sadd.s32 s20, s9;
	s26 =	sadd.s32 s21, s9;
	s21 =	simm.s32 $0x40  }
0x18: {  	v2 =	vlaneseq.u32;
	s9 =	simm.s32 $0x8;
	s11 =	simm.s32 $0xD;
	[dreg:$0x7] =	wrdreg s24  }
0x19: {  	vm0 =	vmmov $0xffff;
	v1 =	vshrl.u32 v2, $0x3;
	s20 =	simm.s32 $0x10;
	s23 =	simm.s32 $0x0;
	[dreg:$0x8] =	wrdreg s25  }
0x1a: {  	v0 =	vand.u32 $0x7, v2;
	v2 =	vor.u32 $0x8, v2;
	v1 =	vmul.u32 $0x8, v1;
	[dreg:$0x9] =	wrdreg s26;
	s25 =	simm.s32 $0x13400;
	s26 =	simm.s32 $0x7400  }
.LBB2_4:
0x1b: {  	_ =	swait.ge [sflag:s10], $0x4000  }
0x1c: {  	[sflag:s10] =	ssyncset.done $0x0  }
0x1d: {  	[sflag:s10] =	ssyncadd.s32 $0xFFFFC000  }
0x1e: {  	_ =	swait.ge [sflag:s11], $0x2000  }
0x1f: {  	[sflag:s11] =	ssyncset.done $0x0  }
0x20: {  	[sflag:s11] =	ssyncadd.s32 $0xFFFFE000  }
0x21: {  	_ =	swait.ge [sflag:s15], $0x4000  }
0x22: {  	[sflag:s15] =	ssyncset.done $0x0  }
0x23: {  	[sflag:s15] =	ssyncadd.s32 $0xFFFFC000  }
0x24: {  	_ =	swait.ge [sflag:s16], $0x2000  }
0x25: {  	[sflag:s16] =	ssyncset.done $0x0  }
0x26: {  	[sflag:s16] =	ssyncadd.s32 $0xFFFFE000  }
0x27: {  	_ =	swait.ge [sflag:s17], $0x4000  }
0x28: {  	[sflag:s17] =	ssyncset.done $0x0  }
0x29: {  	[sflag:s17] =	ssyncadd.s32 $0xFFFFC000  }
0x2a: {  	_ =	swait.ge [sflag:s18], $0x2000  }
0x2b: {  	[sflag:s18] =	ssyncset.done $0x0  }
0x2c: {  	[sflag:s18] =	ssyncadd.s32 $0xFFFFE000  }
0x2d: {  	_ =	swait.ge [sflag:s19], $0x4000  }
0x2e: {  	[sflag:s19] =	ssyncset.done $0x0  }
0x2f: {  	[sflag:s19] =	ssyncadd.s32 $0xFFFFC000  }
0x30: {  	_ =	swait.ge [sflag:s20], $0x2000  }
0x31: {  	s23 =	rddreg [dreg:$0xa]  }
0x32: {  	s0 =	rddreg [dreg:$0x4];
	s23 =	sadd.s32 $0x1, s23  }
0x33: {  	p0 =	sne.s32 s23, s0  }
.Ltmp1:
0x34: {  	_ = 	snop;
	(pc) =	sbr.rel @!p0 .LBB2_5-.Ltmp1, $4  }
0x35: {  	_ = 	snop  }
0x36: {  	s1 =	simm.s32 $0x13400;
	s12 =	simm.s32 $0x7400  }
0x37: {  	s13 =	simm.s32 $0x15400;
	s22 =	simm.s32 $0xB400;
	[sflag:s20] =	ssyncset.done $0x0  }
0x38: {  	s5 =	simm.s32 $0x17400;
	s6 =	simm.s32 $0xF400;
	[sflag:s20] =	ssyncadd.s32 $0xFFFFE000  }
.LBB2_1:
0x39: {  	[dreg:$0xa] =	wrdreg s23  }
0x3a: {  	s0 =	rddreg [dreg:$0x3];
	s23 =	simm.s32 $0x11  }
0x3b: {  	[tilespmem:s3], [sflag:$0x11] =	stream.linear.gather [hbm4b:s0+s3], $0x3200, $0x38;
	[tilespmem:$0x1B400] =	vst v63  }
0x3c: {  	_ =	swait.ge [sflag:s23], $0x3200  }
0x3d: {  	[sflag:s23] =	ssyncset.done $0x0  }
0x3e: {  	[sflag:s23] =	ssyncadd.s32 $0xFFFFCE00  }
0x3f: {  	v3 =	vld [tilespmem:$0x0];
	_ =	sdelay $0x4  }
0x40: {  	v4 =	vshrl.u32 v3, $0x3  }
0x41: {  	v4 =	vmul.u32 $0x18, v4  }
0x42: {  	v3 =	vand.u32 $0x7, v3  }
0x43: {  	v3 =	vor.u32 v3, v4  }
0x44: {  	v4 =	vperm.xlane v3, v0;
	_ =	sdelay $0x1  }
0x45: {  	v3 =	vperm.xlane v3, v2;
	v4 =	vadd.s32 v1, v4;
	_ =	sdelay $0x1  }
0x46: {  	v3 =	vadd.s32 v1, v3;
	_ =	sdelay $0x2  }
0x47: {  	[tilespmem:s14], [sflag:$0x1] =	stream.indirect_vreg.gather [hbm4b:s2+s3], $0x80, v4, vm0, $0xb8;
	[tilespmem:$0x1B400] =	vst v63  }
0x48: {  	s24 =	simm.s32 $0x3C00  }
0x49: {  	[tilespmem:s24], [sflag:$0x1] =	stream.indirect_vreg.gather [hbm4b:s2+s3], $0x80, v3, vm0, $0xb8;
	[tilespmem:$0x1B400] =	vst v63  }
0x4a: {  	v3 =	vld [tilespmem:$0x10];
	_ =	sdelay $0x4  }
0x4b: {  	v49 =	vshrl.u32 v3, $0x3  }
0x4c: {  	v4 =	vmul.u32 $0x18, v49  }
0x4d: {  	v3 =	vand.u32 $0x7, v3  }
0x4e: {  	v3 =	vor.u32 v3, v4  }
0x4f: {  	v4 =	vperm.xlane v3, v0;
	_ =	sdelay $0x1  }
0x50: {  	v3 =	vperm.xlane v3, v2;
	v4 =	vadd.s32 v1, v4;
	_ =	sdelay $0x1  }
0x51: {  	v3 =	vadd.s32 v1, v3;
	_ =	sdelay $0x1  }
0x52: {  	s23 =	simm.s32 $0x4400  }
0x53: {  	[tilespmem:s23], [sflag:$0x1] =	stream.indirect_vreg.gather [hbm4b:s2+s3], $0x80, v4, vm0, $0xb8;
	[tilespmem:$0x1B400] =	vst v63  }
0x54: {  	s24 =	simm.s32 $0x4C00  }
0x55: {  	[tilespmem:s24], [sflag:$0x1] =	stream.indirect_vreg.gather [hbm4b:s2+s3], $0x80, v3, vm0, $0xb8;
	[tilespmem:$0x1B400] =	vst v63  }
0x56: {  	v3 =	vld [tilespmem:$0x20];
	_ =	sdelay $0x4  }
0x57: {  	v50 =	vshrl.u32 v3, $0x3  }
0x58: {  	v4 =	vmul.u32 $0x18, v50  }
0x59: {  	v3 =	vand.u32 $0x7, v3  }
0x5a: {  	v3 =	vor.u32 v3, v4  }
0x5b: {  	v4 =	vperm.xlane v3, v0;
	_ =	sdelay $0x1  }
0x5c: {  	v3 =	vperm.xlane v3, v2;
	v4 =	vadd.s32 v1, v4;
	_ =	sdelay $0x1  }
0x5d: {  	v3 =	vadd.s32 v1, v3;
	_ =	sdelay $0x1  }
0x5e: {  	s23 =	simm.s32 $0x5400  }
0x5f: {  	[tilespmem:s23], [sflag:$0x1] =	stream.indirect_vreg.gather [hbm4b:s2+s3], $0x80, v4, vm0, $0xb8;
	[tilespmem:$0x1B400] =	vst v63  }
0x60: {  	s24 =	simm.s32 $0x5C00  }
0x61: {  	[tilespmem:s24], [sflag:$0x1] =	stream.indirect_vreg.gather [hbm4b:s2+s3], $0x80, v3, vm0, $0xb8;
	[tilespmem:$0x1B400] =	vst v63  }
0x62: {  	v3 =	vld [tilespmem:$0x30];
	_ =	sdelay $0x4  }
0x63: {  	v51 =	vshrl.u32 v3, $0x3  }
0x64: {  	v4 =	vmul.u32 $0x18, v51  }
0x65: {  	v3 =	vand.u32 $0x7, v3  }
0x66: {  	v3 =	vor.u32 v3, v4  }
0x67: {  	v4 =	vperm.xlane v3, v0;
	_ =	sdelay $0x1  }
0x68: {  	v3 =	vperm.xlane v3, v2;
	v4 =	vadd.s32 v1, v4;
	_ =	sdelay $0x1  }
0x69: {  	v3 =	vadd.s32 v1, v3;
	_ =	sdelay $0x1  }
0x6a: {  	s23 =	simm.s32 $0x6400  }
0x6b: {  	[tilespmem:s23], [sflag:$0x1] =	stream.indirect_vreg.gather [hbm4b:s2+s3], $0x80, v4, vm0, $0xb8;
	[tilespmem:$0x1B400] =	vst v63  }
0x6c: {  	s24 =	simm.s32 $0x6C00  }
0x6d: {  	[tilespmem:s24], [sflag:$0x1] =	stream.indirect_vreg.gather [hbm4b:s2+s3], $0x80, v3, vm0, $0xb8;
	[tilespmem:$0x1B400] =	vst v63  }
0x6e: {  	_ = 	snop  }
0x6f: {  	[tilespmem:s1], [sflag:$0x5] =	stream.indirect.gather [hbm4b:s4+s21], $0x80, s3, s21, $0xb8;
	[tilespmem:$0x1B400] =	vst v63  }
0x70: {  	v3 =	vld [tilespmem:$0x80];
	_ =	sdelay $0x4  }
0x71: {  	v52 =	vshrl.u32 v3, $0x3  }
0x72: {  	v4 =	vmul.u32 $0x18, v52  }
0x73: {  	v3 =	vand.u32 $0x7, v3  }
0x74: {  	v3 =	vor.u32 v3, v4  }
0x75: {  	v4 =	vperm.xlane v3, v0;
	_ =	sdelay $0x1  }
0x76: {  	v3 =	vperm.xlane v3, v2;
	v4 =	vadd.s32 v1, v4;
	_ =	sdelay $0x1  }
0x77: {  	v3 =	vadd.s32 v1, v3;
	_ =	sdelay $0x2  }
0x78: {  	[tilespmem:s12], [sflag:$0x2] =	stream.indirect_vreg.gather [hbm4b:s2+s3], $0x80, v4, vm0, $0xb8;
	[tilespmem:$0x1B400] =	vst v63  }
0x79: {  	s23 =	simm.s32 $0x7C00  }
0x7a: {  	[tilespmem:s23], [sflag:$0x2] =	stream.indirect_vreg.gather [hbm4b:s2+s3], $0x80, v3, vm0, $0xb8;
	[tilespmem:$0x1B400] =	vst v63  }
0x7b: {  	v3 =	vld [tilespmem:$0x90];
	_ =	sdelay $0x4  }
0x7c: {  	v53 =	vshrl.u32 v3, $0x3  }
0x7d: {  	v4 =	vmul.u32 $0x18, v53  }
0x7e: {  	v3 =	vand.u32 $0x7, v3  }
0x7f: {  	v3 =	vor.u32 v3, v4  }
0x80: {  	v4 =	vperm.xlane v3, v0;
	_ =	sdelay $0x1  }
0x81: {  	v3 =	vperm.xlane v3, v2;
	v4 =	vadd.s32 v1, v4;
	_ =	sdelay $0x1  }
0x82: {  	v3 =	vadd.s32 v1, v3;
	_ =	sdelay $0x1  }
0x83: {  	s24 =	simm.s32 $0x8400  }
0x84: {  	[tilespmem:s24], [sflag:$0x2] =	stream.indirect_vreg.gather [hbm4b:s2+s3], $0x80, v4, vm0, $0xb8;
	[tilespmem:$0x1B400] =	vst v63  }
0x85: {  	s1 =	simm.s32 $0x8C00  }
0x86: {  	[tilespmem:s1], [sflag:$0x2] =	stream.indirect_vreg.gather [hbm4b:s2+s3], $0x80, v3, vm0, $0xb8;
	[tilespmem:$0x1B400] =	vst v63  }
0x87: {  	v3 =	vld [tilespmem:$0xA0];
	_ =	sdelay $0x4  }
0x88: {  	v54 =	vshrl.u32 v3, $0x3  }
0x89: {  	v4 =	vmul.u32 $0x18, v54  }
0x8a: {  	v3 =	vand.u32 $0x7, v3  }
0x8b: {  	v3 =	vor.u32 v3, v4  }
0x8c: {  	v4 =	vperm.xlane v3, v0;
	_ =	sdelay $0x1  }
0x8d: {  	v3 =	vperm.xlane v3, v2;
	v4 =	vadd.s32 v1, v4;
	_ =	sdelay $0x1  }
0x8e: {  	v3 =	vadd.s32 v1, v3;
	_ =	sdelay $0x1  }
0x8f: {  	s12 =	simm.s32 $0x9400  }
0x90: {  	[tilespmem:s12], [sflag:$0x2] =	stream.indirect_vreg.gather [hbm4b:s2+s3], $0x80, v4, vm0, $0xb8;
	[tilespmem:$0x1B400] =	vst v63  }
0x91: {  	s23 =	simm.s32 $0x9C00  }
0x92: {  	[tilespmem:s23], [sflag:$0x2] =	stream.indirect_vreg.gather [hbm4b:s2+s3], $0x80, v3, vm0, $0xb8;
	[tilespmem:$0x1B400] =	vst v63  }
0x93: {  	v3 =	vld [tilespmem:$0xB0];
	_ =	sdelay $0x4  }
0x94: {  	v55 =	vshrl.u32 v3, $0x3  }
0x95: {  	v4 =	vmul.u32 $0x18, v55  }
0x96: {  	v3 =	vand.u32 $0x7, v3  }
0x97: {  	v3 =	vor.u32 v3, v4  }
0x98: {  	v4 =	vperm.xlane v3, v0;
	_ =	sdelay $0x1  }
0x99: {  	v3 =	vperm.xlane v3, v2;
	v4 =	vadd.s32 v1, v4;
	_ =	sdelay $0x1  }
0x9a: {  	v3 =	vadd.s32 v1, v3;
	_ =	sdelay $0x1  }
0x9b: {  	s24 =	simm.s32 $0xA400  }
0x9c: {  	[tilespmem:s24], [sflag:$0x2] =	stream.indirect_vreg.gather [hbm4b:s2+s3], $0x80, v4, vm0, $0xb8;
	[tilespmem:$0x1B400] =	vst v63  }
0x9d: {  	s1 =	simm.s32 $0xAC00  }
0x9e: {  	[tilespmem:s1], [sflag:$0x2] =	stream.indirect_vreg.gather [hbm4b:s2+s3], $0x80, v3, vm0, $0xb8;
	[tilespmem:$0x1B400] =	vst v63  }
0x9f: {  	s12 =	simm.s32 $0x80  }
0xa0: {  	[tilespmem:s13], [sflag:$0x6] =	stream.indirect.gather [hbm4b:s4+s21], $0x80, s12, s21, $0xb8;
	[tilespmem:$0x1B400] =	vst v63  }
0xa1: {  	v3 =	vld [tilespmem:$0x100];
	_ =	sdelay $0x4  }
0xa2: {  	v56 =	vshrl.u32 v3, $0x3  }
0xa3: {  	v4 =	vmul.u32 $0x18, v56  }
0xa4: {  	v3 =	vand.u32 $0x7, v3  }
0xa5: {  	v3 =	vor.u32 v3, v4  }
0xa6: {  	v4 =	vperm.xlane v3, v0;
	_ =	sdelay $0x1  }
0xa7: {  	v3 =	vperm.xlane v3, v2;
	v4 =	vadd.s32 v1, v4;
	_ =	sdelay $0x1  }
0xa8: {  	v3 =	vadd.s32 v1, v3;
	_ =	sdelay $0x2  }
0xa9: {  	[tilespmem:s22], [sflag:$0x3] =	stream.indirect_vreg.gather [hbm4b:s2+s3], $0x80, v4, vm0, $0xb8;
	[tilespmem:$0x1B400] =	vst v63  }
0xaa: {  	s23 =	simm.s32 $0xBC00  }
0xab: {  	[tilespmem:s23], [sflag:$0x3] =	stream.indirect_vreg.gather [hbm4b:s2+s3], $0x80, v3, vm0, $0xb8;
	[tilespmem:$0x1B400] =	vst v63  }
0xac: {  	v3 =	vld [tilespmem:$0x110];
	_ =	sdelay $0x4  }
0xad: {  	v57 =	vshrl.u32 v3, $0x3  }
0xae: {  	v4 =	vmul.u32 $0x18, v57  }
0xaf: {  	v3 =	vand.u32 $0x7, v3  }
0xb0: {  	v3 =	vor.u32 v3, v4  }
0xb1: {  	v4 =	vperm.xlane v3, v0;
	_ =	sdelay $0x1  }
0xb2: {  	v3 =	vperm.xlane v3, v2;
	v4 =	vadd.s32 v1, v4;
	_ =	sdelay $0x1  }
0xb3: {  	v3 =	vadd.s32 v1, v3;
	_ =	sdelay $0x1  }
0xb4: {  	s24 =	simm.s32 $0xC400  }
0xb5: {  	[tilespmem:s24], [sflag:$0x3] =	stream.indirect_vreg.gather [hbm4b:s2+s3], $0x80, v4, vm0, $0xb8;
	[tilespmem:$0x1B400] =	vst v63  }
0xb6: {  	s1 =	simm.s32 $0xCC00  }
0xb7: {  	[tilespmem:s1], [sflag:$0x3] =	stream.indirect_vreg.gather [hbm4b:s2+s3], $0x80, v3, vm0, $0xb8;
	[tilespmem:$0x1B400] =	vst v63  }
0xb8: {  	v3 =	vld [tilespmem:$0x120];
	_ =	sdelay $0x4  }
0xb9: {  	v58 =	vshrl.u32 v3, $0x3  }
0xba: {  	v4 =	vmul.u32 $0x18, v58  }
0xbb: {  	v3 =	vand.u32 $0x7, v3  }
0xbc: {  	v3 =	vor.u32 v3, v4  }
0xbd: {  	v4 =	vperm.xlane v3, v0;
	_ =	sdelay $0x1  }
0xbe: {  	v3 =	vperm.xlane v3, v2;
	v4 =	vadd.s32 v1, v4;
	_ =	sdelay $0x1  }
0xbf: {  	v3 =	vadd.s32 v1, v3;
	_ =	sdelay $0x1  }
0xc0: {  	s12 =	simm.s32 $0xD400  }
0xc1: {  	[tilespmem:s12], [sflag:$0x3] =	stream.indirect_vreg.gather [hbm4b:s2+s3], $0x80, v4, vm0, $0xb8;
	[tilespmem:$0x1B400] =	vst v63  }
0xc2: {  	s13 =	simm.s32 $0xDC00  }
0xc3: {  	[tilespmem:s13], [sflag:$0x3] =	stream.indirect_vreg.gather [hbm4b:s2+s3], $0x80, v3, vm0, $0xb8;
	[tilespmem:$0x1B400] =	vst v63  }
0xc4: {  	v3 =	vld [tilespmem:$0x130];
	_ =	sdelay $0x4  }
0xc5: {  	v59 =	vshrl.u32 v3, $0x3  }
0xc6: {  	v4 =	vmul.u32 $0x18, v59  }
0xc7: {  	v3 =	vand.u32 $0x7, v3  }
0xc8: {  	v3 =	vor.u32 v3, v4  }
0xc9: {  	v4 =	vperm.xlane v3, v0;
	_ =	sdelay $0x1  }
0xca: {  	v3 =	vperm.xlane v3, v2;
	v4 =	vadd.s32 v1, v4;
	_ =	sdelay $0x1  }
0xcb: {  	v3 =	vadd.s32 v1, v3;
	_ =	sdelay $0x1  }
0xcc: {  	s22 =	simm.s32 $0xE400  }
0xcd: {  	[tilespmem:s22], [sflag:$0x3] =	stream.indirect_vreg.gather [hbm4b:s2+s3], $0x80, v4, vm0, $0xb8;
	[tilespmem:$0x1B400] =	vst v63  }
0xce: {  	s23 =	simm.s32 $0xEC00  }
0xcf: {  	[tilespmem:s23], [sflag:$0x3] =	stream.indirect_vreg.gather [hbm4b:s2+s3], $0x80, v3, vm0, $0xb8;
	[tilespmem:$0x1B400] =	vst v63  }
0xd0: {  	s24 =	simm.s32 $0x100  }
0xd1: {  	[tilespmem:s5], [sflag:$0x7] =	stream.indirect.gather [hbm4b:s4+s21], $0x80, s24, s21, $0xb8;
	[tilespmem:$0x1B400] =	vst v63  }
0xd2: {  	v3 =	vld [tilespmem:$0x180];
	_ =	sdelay $0x4  }
0xd3: {  	v60 =	vshrl.u32 v3, $0x3  }
0xd4: {  	v4 =	vmul.u32 $0x18, v60  }
0xd5: {  	v3 =	vand.u32 $0x7, v3  }
0xd6: {  	v3 =	vor.u32 v3, v4  }
0xd7: {  	v4 =	vperm.xlane v3, v0;
	_ =	sdelay $0x1  }
0xd8: {  	v3 =	vperm.xlane v3, v2;
	v4 =	vadd.s32 v1, v4;
	_ =	sdelay $0x1  }
0xd9: {  	v3 =	vadd.s32 v1, v3;
	_ =	sdelay $0x2  }
0xda: {  	[tilespmem:s6], [sflag:$0x4] =	stream.indirect_vreg.gather [hbm4b:s2+s3], $0x80, v4, vm0, $0xb8;
	[tilespmem:$0x1B400] =	vst v63  }
0xdb: {  	s1 =	simm.s32 $0xFC00  }
0xdc: {  	[tilespmem:s1], [sflag:$0x4] =	stream.indirect_vreg.gather [hbm4b:s2+s3], $0x80, v3, vm0, $0xb8;
	[tilespmem:$0x1B400] =	vst v63  }
0xdd: {  	v3 =	vld [tilespmem:$0x190];
	_ =	sdelay $0x4  }
0xde: {  	v61 =	vshrl.u32 v3, $0x3  }
0xdf: {  	v4 =	vmul.u32 $0x18, v61  }
0xe0: {  	v3 =	vand.u32 $0x7, v3  }
0xe1: {  	v3 =	vor.u32 v3, v4  }
0xe2: {  	v4 =	vperm.xlane v3, v0;
	_ =	sdelay $0x1  }
0xe3: {  	v3 =	vperm.xlane v3, v2;
	v4 =	vadd.s32 v1, v4;
	_ =	sdelay $0x1  }
0xe4: {  	v3 =	vadd.s32 v1, v3;
	_ =	sdelay $0x1  }
0xe5: {  	s5 =	simm.s32 $0x10400  }
0xe6: {  	[tilespmem:s5], [sflag:$0x4] =	stream.indirect_vreg.gather [hbm4b:s2+s3], $0x80, v4, vm0, $0xb8;
	[tilespmem:$0x1B400] =	vst v63  }
0xe7: {  	s6 =	simm.s32 $0x10C00  }
0xe8: {  	[tilespmem:s6], [sflag:$0x4] =	stream.indirect_vreg.gather [hbm4b:s2+s3], $0x80, v3, vm0, $0xb8;
	[tilespmem:$0x1B400] =	vst v63  }
0xe9: {  	v3 =	vld [tilespmem:$0x1A0];
	_ =	sdelay $0x4  }
0xea: {  	v62 =	vshrl.u32 v3, $0x3  }
0xeb: {  	v4 =	vmul.u32 $0x18, v62  }
0xec: {  	v3 =	vand.u32 $0x7, v3  }
0xed: {  	v3 =	vor.u32 v3, v4  }
0xee: {  	v4 =	vperm.xlane v3, v0;
	_ =	sdelay $0x1  }
0xef: {  	v3 =	vperm.xlane v3, v2;
	v4 =	vadd.s32 v1, v4;
	_ =	sdelay $0x1  }
0xf0: {  	v3 =	vadd.s32 v1, v3;
	_ =	sdelay $0x1  }
0xf1: {  	s12 =	simm.s32 $0x11400  }
0xf2: {  	[tilespmem:s12], [sflag:$0x4] =	stream.indirect_vreg.gather [hbm4b:s2+s3], $0x80, v4, vm0, $0xb8;
	[tilespmem:$0x1B400] =	vst v63  }
0xf3: {  	s13 =	simm.s32 $0x11C00  }
0xf4: {  	[tilespmem:s13], [sflag:$0x4] =	stream.indirect_vreg.gather [hbm4b:s2+s3], $0x80, v3, vm0, $0xb8;
	[tilespmem:$0x1B400] =	vst v63  }
0xf5: {  	v3 =	vld [tilespmem:$0x1B0];
	_ =	sdelay $0x4  }
0xf6: {  	v63 =	vshrl.u32 v3, $0x3  }
0xf7: {  	v4 =	vmul.u32 $0x18, v63  }
0xf8: {  	v3 =	vand.u32 $0x7, v3  }
0xf9: {  	v3 =	vor.u32 v3, v4  }
0xfa: {  	v4 =	vperm.xlane v3, v0;
	_ =	sdelay $0x1  }
0xfb: {  	v3 =	vperm.xlane v3, v2;
	v4 =	vadd.s32 v1, v4;
	_ =	sdelay $0x1  }
0xfc: {  	v3 =	vadd.s32 v1, v3  }
0xfd: {  	s0 =	rddreg [dreg:$0x5]  }
0xfe: {  	s22 =	simm.s32 $0x12400;
	s13 =	rddreg [dreg:$0x8]  }
0xff: {  	[tilespmem:s22], [sflag:$0x4] =	stream.indirect_vreg.gather [hbm4b:s2+s3], $0x80, v4, vm0, $0xb8;
	[tilespmem:$0x1B400] =	vst v63  }
0x100: {  	s23 =	simm.s32 $0x12C00;
	s22 =	rddreg [dreg:$0x7]  }
0x101: {  	[tilespmem:s23], [sflag:$0x4] =	stream.indirect_vreg.gather [hbm4b:s2+s3], $0x80, v3, vm0, $0xb8;
	[tilespmem:$0x1B400] =	vst v63  }
0x102: {  	s24 =	simm.s32 $0x180;
	s1 =	simm.s32 $0x0;
	s23 =	rddreg [dreg:$0x6]  }
0x103: {  	[tilespmem:s7], [sflag:$0x8] =	stream.indirect.gather [hbm4b:s4+s21], $0x80, s24, s21, $0xb8;
	[tilespmem:$0x1B400] =	vst v63  }
0x104: {  	s5 =	simm.s32 $0x17400;
	s6 =	simm.s32 $0xF400;
	s24 =	rddreg [dreg:$0x9]  }
.LBB2_2:
0x105: {  	s12 =	simm.s32 $0x1  }
0x106: {  	_ =	swait.ge [sflag:s12], $0x4000  }
0x107: {  	[sflag:s12] =	ssyncset.done $0x0  }
0x108: {  	[sflag:s12] =	ssyncadd.s32 $0xFFFFC000;
	s12 =	simm.s32 $0x5  }
0x109: {  	_ =	swait.ge [sflag:s12], $0x2000  }
0x10a: {  	[sflag:s12] =	ssyncset.done $0x0  }
0x10b: {  	[sflag:s12] =	ssyncadd.s32 $0xFFFFE000  }
0x10c: {  	[hbm4b:s0+s29] =	stream.strided.scatter [tilespmem:s14], [sflag:$0x9], $0x4000, s30, s29, $0x38;
	[tilespmem:$0x1B400] =	vst v63  }
0x10d: {  	s12 =	sadd.s32 $0xFFFFF400, s23  }
0x10e: {  	[hbm4b:s12+s3] =	stream.linear.scatter [tilespmem:s25], [sflag:$0xD], $0x2000, $0x38;
	[tilespmem:$0x1B400] =	vst v63  }
0x10f: {  	s12 =	simm.s32 $0x2  }
0x110: {  	_ =	swait.ge [sflag:s12], $0x4000  }
0x111: {  	[sflag:s12] =	ssyncset.done $0x0  }
0x112: {  	[sflag:s12] =	ssyncadd.s32 $0xFFFFC000;
	s12 =	simm.s32 $0x6  }
0x113: {  	_ =	swait.ge [sflag:s12], $0x2000  }
0x114: {  	[sflag:s12] =	ssyncset.done $0x0  }
0x115: {  	[sflag:s12] =	ssyncadd.s32 $0xFFFFE000  }
0x116: {  	[hbm4b:s22+s29] =	stream.strided.scatter [tilespmem:s26], [sflag:$0xA], $0x4000, s30, s29, $0x38;
	[tilespmem:$0x1B400] =	vst v63  }
0x117: {  	s12 =	sadd.s32 $0xFFFFF800, s23  }
0x118: {  	[hbm4b:s12+s3] =	stream.linear.scatter [tilespmem:s28], [sflag:$0xE], $0x2000, $0x38;
	[tilespmem:$0x1B400] =	vst v63  }
0x119: {  	s12 =	simm.s32 $0x3  }
0x11a: {  	_ =	swait.ge [sflag:s12], $0x4000  }
0x11b: {  	[sflag:s12] =	ssyncset.done $0x0  }
0x11c: {  	[sflag:s12] =	ssyncadd.s32 $0xFFFFC000;
	s12 =	simm.s32 $0x7  }
0x11d: {  	_ =	swait.ge [sflag:s12], $0x2000  }
0x11e: {  	[sflag:s12] =	ssyncset.done $0x0  }
0x11f: {  	[sflag:s12] =	ssyncadd.s32 $0xFFFFE000  }
0x120: {  	[hbm4b:s13+s29] =	stream.strided.scatter [tilespmem:s31], [sflag:$0xB], $0x4000, s30, s29, $0x38;
	[tilespmem:$0x1B400] =	vst v63  }
0x121: {  	s12 =	sadd.s32 $0xFFFFFC00, s23  }
0x122: {  	[hbm4b:s12+s3] =	stream.linear.scatter [tilespmem:s5], [sflag:$0xF], $0x2000, $0x38;
	[tilespmem:$0x1B400] =	vst v63  }
0x123: {  	_ =	swait.ge [sflag:s8], $0x4000  }
0x124: {  	[sflag:s8] =	ssyncset.done $0x0  }
0x125: {  	[sflag:s8] =	ssyncadd.s32 $0xFFFFC000  }
0x126: {  	p0 =	seq.s32 s1, $0xC000;
	_ =	swait.ge [sflag:s9], $0x2000  }
.Ltmp2:
0x127: {  	[sflag:s9] =	ssyncset.done $0x0;
	(pc) =	sbr.rel @p0 .LBB2_4-.Ltmp2, $4  }
0x128: {  	[sflag:s9] =	ssyncadd.s32 $0xFFFFE000  }
0x129: {  	[hbm4b:s24+s29] =	stream.strided.scatter [tilespmem:s6], [sflag:$0xC], $0x4000, s30, s29, $0x38;
	[tilespmem:$0x1B400] =	vst v63  }
0x12a: {  	_ = 	snop  }
0x12b: {  	[hbm4b:s23+s3] =	stream.linear.scatter [tilespmem:s7], [sflag:$0x10], $0x2000, $0x38;
	[tilespmem:$0x1B400] =	vst v63  }
0x12c: {  	_ =	swait.ge [sflag:s10], $0x4000  }
0x12d: {  	[sflag:s10] =	ssyncset.done $0x0  }
0x12e: {  	[sflag:s10] =	ssyncadd.s32 $0xFFFFC000  }
0x12f: {  	_ =	swait.ge [sflag:s11], $0x2000  }
0x130: {  	[sflag:s11] =	ssyncset.done $0x0  }
0x131: {  	s12 =	sshra.s32 s1, $0x2;
	[sflag:s11] =	ssyncadd.s32 $0xFFFFE000  }
0x132: {  	v3 =	vld [tilespmem:s12+$0x200];
	_ =	sdelay $0x4  }
0x133: {  	v4 =	vshrl.u32 v3, $0x3  }
0x134: {  	v4 =	vmul.u32 $0x18, v4  }
0x135: {  	v3 =	vand.u32 $0x7, v3  }
0x136: {  	v3 =	vor.u32 v3, v4  }
0x137: {  	v4 =	vperm.xlane v3, v0;
	_ =	sdelay $0x1  }
0x138: {  	v3 =	vperm.xlane v3, v2;
	v4 =	vadd.s32 v1, v4;
	_ =	sdelay $0x1  }
0x139: {  	v3 =	vadd.s32 v1, v3;
	_ =	sdelay $0x2  }
0x13a: {  	[tilespmem:s14], [sflag:$0x1] =	stream.indirect_vreg.gather [hbm4b:s2+s3], $0x80, v4, vm0, $0xb8;
	[tilespmem:$0x1B400] =	vst v63  }
0x13b: {  	s7 =	simm.s32 $0x3C00  }
0x13c: {  	[tilespmem:s7], [sflag:$0x1] =	stream.indirect_vreg.gather [hbm4b:s2+s3], $0x80, v3, vm0, $0xb8;
	[tilespmem:$0x1B400] =	vst v63  }
0x13d: {  	v3 =	vld [tilespmem:s12+$0x210];
	_ =	sdelay $0x4  }
0x13e: {  	v49 =	vshrl.u32 v3, $0x3  }
0x13f: {  	v4 =	vmul.u32 $0x18, v49  }
0x140: {  	v3 =	vand.u32 $0x7, v3  }
0x141: {  	v3 =	vor.u32 v3, v4  }
0x142: {  	v4 =	vperm.xlane v3, v0;
	_ =	sdelay $0x1  }
0x143: {  	v3 =	vperm.xlane v3, v2;
	v4 =	vadd.s32 v1, v4;
	_ =	sdelay $0x1  }
0x144: {  	v3 =	vadd.s32 v1, v3;
	_ =	sdelay $0x1  }
0x145: {  	s7 =	simm.s32 $0x4400  }
0x146: {  	[tilespmem:s7], [sflag:$0x1] =	stream.indirect_vreg.gather [hbm4b:s2+s3], $0x80, v4, vm0, $0xb8;
	[tilespmem:$0x1B400] =	vst v63  }
0x147: {  	s7 =	simm.s32 $0x4C00  }
0x148: {  	[tilespmem:s7], [sflag:$0x1] =	stream.indirect_vreg.gather [hbm4b:s2+s3], $0x80, v3, vm0, $0xb8;
	[tilespmem:$0x1B400] =	vst v63  }
0x149: {  	v3 =	vld [tilespmem:s12+$0x220];
	_ =	sdelay $0x4  }
0x14a: {  	v50 =	vshrl.u32 v3, $0x3  }
0x14b: {  	v4 =	vmul.u32 $0x18, v50  }
0x14c: {  	v3 =	vand.u32 $0x7, v3  }
0x14d: {  	v3 =	vor.u32 v3, v4  }
0x14e: {  	v4 =	vperm.xlane v3, v0;
	_ =	sdelay $0x1  }
0x14f: {  	v3 =	vperm.xlane v3, v2;
	v4 =	vadd.s32 v1, v4;
	_ =	sdelay $0x1  }
0x150: {  	v3 =	vadd.s32 v1, v3;
	_ =	sdelay $0x1  }
0x151: {  	s7 =	simm.s32 $0x5400  }
0x152: {  	[tilespmem:s7], [sflag:$0x1] =	stream.indirect_vreg.gather [hbm4b:s2+s3], $0x80, v4, vm0, $0xb8;
	[tilespmem:$0x1B400] =	vst v63  }
0x153: {  	s7 =	simm.s32 $0x5C00  }
0x154: {  	[tilespmem:s7], [sflag:$0x1] =	stream.indirect_vreg.gather [hbm4b:s2+s3], $0x80, v3, vm0, $0xb8;
	[tilespmem:$0x1B400] =	vst v63  }
0x155: {  	v3 =	vld [tilespmem:s12+$0x230];
	_ =	sdelay $0x4  }
0x156: {  	v51 =	vshrl.u32 v3, $0x3  }
0x157: {  	v4 =	vmul.u32 $0x18, v51  }
0x158: {  	v3 =	vand.u32 $0x7, v3  }
0x159: {  	v3 =	vor.u32 v3, v4  }
0x15a: {  	v4 =	vperm.xlane v3, v0;
	_ =	sdelay $0x1  }
0x15b: {  	v3 =	vperm.xlane v3, v2;
	v4 =	vadd.s32 v1, v4;
	_ =	sdelay $0x1  }
0x15c: {  	v3 =	vadd.s32 v1, v3;
	_ =	sdelay $0x1  }
0x15d: {  	s7 =	simm.s32 $0x6400  }
0x15e: {  	[tilespmem:s7], [sflag:$0x1] =	stream.indirect_vreg.gather [hbm4b:s2+s3], $0x80, v4, vm0, $0xb8;
	[tilespmem:$0x1B400] =	vst v63  }
0x15f: {  	s7 =	simm.s32 $0x6C00  }
0x160: {  	[tilespmem:s7], [sflag:$0x1] =	stream.indirect_vreg.gather [hbm4b:s2+s3], $0x80, v3, vm0, $0xb8;
	[tilespmem:$0x1B400] =	vst v63  }
0x161: {  	s7 =	sadd.s32 $0x200, s12  }
0x162: {  	[tilespmem:s25], [sflag:$0x5] =	stream.indirect.gather [hbm4b:s4+s21], $0x80, s7, s21, $0xb8;
	[tilespmem:$0x1B400] =	vst v63  }
0x163: {  	_ =	swait.ge [sflag:s15], $0x4000  }
0x164: {  	[sflag:s15] =	ssyncset.done $0x0  }
0x165: {  	[sflag:s15] =	ssyncadd.s32 $0xFFFFC000  }
0x166: {  	_ =	swait.ge [sflag:s16], $0x2000  }
0x167: {  	[sflag:s16] =	ssyncset.done $0x0  }
0x168: {  	[sflag:s16] =	ssyncadd.s32 $0xFFFFE000  }
0x169: {  	v3 =	vld [tilespmem:s12+$0x280];
	_ =	sdelay $0x4  }
0x16a: {  	v52 =	vshrl.u32 v3, $0x3  }
0x16b: {  	v4 =	vmul.u32 $0x18, v52  }
0x16c: {  	v3 =	vand.u32 $0x7, v3  }
0x16d: {  	v3 =	vor.u32 v3, v4  }
0x16e: {  	v4 =	vperm.xlane v3, v0;
	_ =	sdelay $0x1  }
0x16f: {  	v3 =	vperm.xlane v3, v2;
	v4 =	vadd.s32 v1, v4;
	_ =	sdelay $0x1  }
0x170: {  	v3 =	vadd.s32 v1, v3;
	_ =	sdelay $0x2  }
0x171: {  	[tilespmem:s26], [sflag:$0x2] =	stream.indirect_vreg.gather [hbm4b:s2+s3], $0x80, v4, vm0, $0xb8;
	[tilespmem:$0x1B400] =	vst v63  }
0x172: {  	s7 =	simm.s32 $0x7C00  }
0x173: {  	[tilespmem:s7], [sflag:$0x2] =	stream.indirect_vreg.gather [hbm4b:s2+s3], $0x80, v3, vm0, $0xb8;
	[tilespmem:$0x1B400] =	vst v63  }
0x174: {  	v3 =	vld [tilespmem:s12+$0x290];
	_ =	sdelay $0x4  }
0x175: {  	v53 =	vshrl.u32 v3, $0x3  }
0x176: {  	v4 =	vmul.u32 $0x18, v53  }
0x177: {  	v3 =	vand.u32 $0x7, v3  }
0x178: {  	v3 =	vor.u32 v3, v4  }
0x179: {  	v4 =	vperm.xlane v3, v0;
	_ =	sdelay $0x1  }
0x17a: {  	v3 =	vperm.xlane v3, v2;
	v4 =	vadd.s32 v1, v4;
	_ =	sdelay $0x1  }
0x17b: {  	v3 =	vadd.s32 v1, v3;
	_ =	sdelay $0x1  }
0x17c: {  	s7 =	simm.s32 $0x8400  }
0x17d: {  	[tilespmem:s7], [sflag:$0x2] =	stream.indirect_vreg.gather [hbm4b:s2+s3], $0x80, v4, vm0, $0xb8;
	[tilespmem:$0x1B400] =	vst v63  }
0x17e: {  	s7 =	simm.s32 $0x8C00  }
0x17f: {  	[tilespmem:s7], [sflag:$0x2] =	stream.indirect_vreg.gather [hbm4b:s2+s3], $0x80, v3, vm0, $0xb8;
	[tilespmem:$0x1B400] =	vst v63  }
0x180: {  	v3 =	vld [tilespmem:s12+$0x2A0];
	_ =	sdelay $0x4  }
0x181: {  	v54 =	vshrl.u32 v3, $0x3  }
0x182: {  	v4 =	vmul.u32 $0x18, v54  }
0x183: {  	v3 =	vand.u32 $0x7, v3  }
0x184: {  	v3 =	vor.u32 v3, v4  }
0x185: {  	v4 =	vperm.xlane v3, v0;
	_ =	sdelay $0x1  }
0x186: {  	v3 =	vperm.xlane v3, v2;
	v4 =	vadd.s32 v1, v4;
	_ =	sdelay $0x1  }
0x187: {  	v3 =	vadd.s32 v1, v3;
	_ =	sdelay $0x1  }
0x188: {  	s7 =	simm.s32 $0x9400  }
0x189: {  	[tilespmem:s7], [sflag:$0x2] =	stream.indirect_vreg.gather [hbm4b:s2+s3], $0x80, v4, vm0, $0xb8;
	[tilespmem:$0x1B400] =	vst v63  }
0x18a: {  	s7 =	simm.s32 $0x9C00  }
0x18b: {  	[tilespmem:s7], [sflag:$0x2] =	stream.indirect_vreg.gather [hbm4b:s2+s3], $0x80, v3, vm0, $0xb8;
	[tilespmem:$0x1B400] =	vst v63  }
0x18c: {  	v3 =	vld [tilespmem:s12+$0x2B0];
	_ =	sdelay $0x4  }
0x18d: {  	v55 =	vshrl.u32 v3, $0x3  }
0x18e: {  	v4 =	vmul.u32 $0x18, v55  }
0x18f: {  	v3 =	vand.u32 $0x7, v3  }
0x190: {  	v3 =	vor.u32 v3, v4  }
0x191: {  	v4 =	vperm.xlane v3, v0;
	_ =	sdelay $0x1  }
0x192: {  	v3 =	vperm.xlane v3, v2;
	v4 =	vadd.s32 v1, v4;
	_ =	sdelay $0x1  }
0x193: {  	v3 =	vadd.s32 v1, v3;
	_ =	sdelay $0x1  }
0x194: {  	s7 =	simm.s32 $0xA400  }
0x195: {  	[tilespmem:s7], [sflag:$0x2] =	stream.indirect_vreg.gather [hbm4b:s2+s3], $0x80, v4, vm0, $0xb8;
	[tilespmem:$0x1B400] =	vst v63  }
0x196: {  	s7 =	simm.s32 $0xAC00  }
0x197: {  	[tilespmem:s7], [sflag:$0x2] =	stream.indirect_vreg.gather [hbm4b:s2+s3], $0x80, v3, vm0, $0xb8;
	[tilespmem:$0x1B400] =	vst v63  }
0x198: {  	s7 =	sadd.s32 $0x280, s12  }
0x199: {  	[tilespmem:s28], [sflag:$0x6] =	stream.indirect.gather [hbm4b:s4+s21], $0x80, s7, s21, $0xb8;
	[tilespmem:$0x1B400] =	vst v63  }
0x19a: {  	_ =	swait.ge [sflag:s17], $0x4000  }
0x19b: {  	[sflag:s17] =	ssyncset.done $0x0  }
0x19c: {  	[sflag:s17] =	ssyncadd.s32 $0xFFFFC000  }
0x19d: {  	_ =	swait.ge [sflag:s18], $0x2000  }
0x19e: {  	[sflag:s18] =	ssyncset.done $0x0  }
0x19f: {  	[sflag:s18] =	ssyncadd.s32 $0xFFFFE000  }
0x1a0: {  	v3 =	vld [tilespmem:s12+$0x300];
	_ =	sdelay $0x4  }
0x1a1: {  	v56 =	vshrl.u32 v3, $0x3  }
0x1a2: {  	v4 =	vmul.u32 $0x18, v56  }
0x1a3: {  	v3 =	vand.u32 $0x7, v3  }
0x1a4: {  	v3 =	vor.u32 v3, v4  }
0x1a5: {  	v4 =	vperm.xlane v3, v0;
	_ =	sdelay $0x1  }
0x1a6: {  	v3 =	vperm.xlane v3, v2;
	v4 =	vadd.s32 v1, v4;
	_ =	sdelay $0x1  }
0x1a7: {  	v3 =	vadd.s32 v1, v3;
	_ =	sdelay $0x2  }
0x1a8: {  	[tilespmem:s31], [sflag:$0x3] =	stream.indirect_vreg.gather [hbm4b:s2+s3], $0x80, v4, vm0, $0xb8;
	[tilespmem:$0x1B400] =	vst v63  }
0x1a9: {  	s7 =	simm.s32 $0xBC00  }
0x1aa: {  	[tilespmem:s7], [sflag:$0x3] =	stream.indirect_vreg.gather [hbm4b:s2+s3], $0x80, v3, vm0, $0xb8;
	[tilespmem:$0x1B400] =	vst v63  }
0x1ab: {  	v3 =	vld [tilespmem:s12+$0x310];
	_ =	sdelay $0x4  }
0x1ac: {  	v57 =	vshrl.u32 v3, $0x3  }
0x1ad: {  	v4 =	vmul.u32 $0x18, v57  }
0x1ae: {  	v3 =	vand.u32 $0x7, v3  }
0x1af: {  	v3 =	vor.u32 v3, v4  }
0x1b0: {  	v4 =	vperm.xlane v3, v0;
	_ =	sdelay $0x1  }
0x1b1: {  	v3 =	vperm.xlane v3, v2;
	v4 =	vadd.s32 v1, v4;
	_ =	sdelay $0x1  }
0x1b2: {  	v3 =	vadd.s32 v1, v3;
	_ =	sdelay $0x1  }
0x1b3: {  	s7 =	simm.s32 $0xC400  }
0x1b4: {  	[tilespmem:s7], [sflag:$0x3] =	stream.indirect_vreg.gather [hbm4b:s2+s3], $0x80, v4, vm0, $0xb8;
	[tilespmem:$0x1B400] =	vst v63  }
0x1b5: {  	s7 =	simm.s32 $0xCC00  }
0x1b6: {  	[tilespmem:s7], [sflag:$0x3] =	stream.indirect_vreg.gather [hbm4b:s2+s3], $0x80, v3, vm0, $0xb8;
	[tilespmem:$0x1B400] =	vst v63  }
0x1b7: {  	v3 =	vld [tilespmem:s12+$0x320];
	_ =	sdelay $0x4  }
0x1b8: {  	v58 =	vshrl.u32 v3, $0x3  }
0x1b9: {  	v4 =	vmul.u32 $0x18, v58  }
0x1ba: {  	v3 =	vand.u32 $0x7, v3  }
0x1bb: {  	v3 =	vor.u32 v3, v4  }
0x1bc: {  	v4 =	vperm.xlane v3, v0;
	_ =	sdelay $0x1  }
0x1bd: {  	v3 =	vperm.xlane v3, v2;
	v4 =	vadd.s32 v1, v4;
	_ =	sdelay $0x1  }
0x1be: {  	v3 =	vadd.s32 v1, v3;
	_ =	sdelay $0x1  }
0x1bf: {  	s7 =	simm.s32 $0xD400  }
0x1c0: {  	[tilespmem:s7], [sflag:$0x3] =	stream.indirect_vreg.gather [hbm4b:s2+s3], $0x80, v4, vm0, $0xb8;
	[tilespmem:$0x1B400] =	vst v63  }
0x1c1: {  	s7 =	simm.s32 $0xDC00  }
0x1c2: {  	[tilespmem:s7], [sflag:$0x3] =	stream.indirect_vreg.gather [hbm4b:s2+s3], $0x80, v3, vm0, $0xb8;
	[tilespmem:$0x1B400] =	vst v63  }
0x1c3: {  	v3 =	vld [tilespmem:s12+$0x330];
	_ =	sdelay $0x4  }
0x1c4: {  	v59 =	vshrl.u32 v3, $0x3  }
0x1c5: {  	v4 =	vmul.u32 $0x18, v59  }
0x1c6: {  	v3 =	vand.u32 $0x7, v3  }
0x1c7: {  	v3 =	vor.u32 v3, v4  }
0x1c8: {  	v4 =	vperm.xlane v3, v0;
	_ =	sdelay $0x1  }
0x1c9: {  	v3 =	vperm.xlane v3, v2;
	v4 =	vadd.s32 v1, v4;
	_ =	sdelay $0x1  }
0x1ca: {  	v3 =	vadd.s32 v1, v3;
	_ =	sdelay $0x1  }
0x1cb: {  	s7 =	simm.s32 $0xE400  }
0x1cc: {  	[tilespmem:s7], [sflag:$0x3] =	stream.indirect_vreg.gather [hbm4b:s2+s3], $0x80, v4, vm0, $0xb8;
	[tilespmem:$0x1B400] =	vst v63  }
0x1cd: {  	s7 =	simm.s32 $0xEC00  }
0x1ce: {  	[tilespmem:s7], [sflag:$0x3] =	stream.indirect_vreg.gather [hbm4b:s2+s3], $0x80, v3, vm0, $0xb8;
	[tilespmem:$0x1B400] =	vst v63  }
0x1cf: {  	s7 =	sadd.s32 $0x300, s12  }
0x1d0: {  	[tilespmem:s5], [sflag:$0x7] =	stream.indirect.gather [hbm4b:s4+s21], $0x80, s7, s21, $0xb8;
	[tilespmem:$0x1B400] =	vst v63  }
0x1d1: {  	_ =	swait.ge [sflag:s19], $0x4000  }
0x1d2: {  	[sflag:s19] =	ssyncset.done $0x0  }
0x1d3: {  	[sflag:s19] =	ssyncadd.s32 $0xFFFFC000  }
0x1d4: {  	_ =	swait.ge [sflag:s20], $0x2000  }
0x1d5: {  	[sflag:s20] =	ssyncset.done $0x0  }
0x1d6: {  	[sflag:s20] =	ssyncadd.s32 $0xFFFFE000  }
0x1d7: {  	v3 =	vld [tilespmem:s12+$0x380];
	_ =	sdelay $0x4  }
0x1d8: {  	v60 =	vshrl.u32 v3, $0x3  }
0x1d9: {  	v4 =	vmul.u32 $0x18, v60  }
0x1da: {  	v3 =	vand.u32 $0x7, v3  }
0x1db: {  	v3 =	vor.u32 v3, v4  }
0x1dc: {  	v4 =	vperm.xlane v3, v0;
	_ =	sdelay $0x1  }
0x1dd: {  	v3 =	vperm.xlane v3, v2;
	v4 =	vadd.s32 v1, v4;
	_ =	sdelay $0x1  }
0x1de: {  	v3 =	vadd.s32 v1, v3;
	_ =	sdelay $0x2  }
0x1df: {  	[tilespmem:s6], [sflag:$0x4] =	stream.indirect_vreg.gather [hbm4b:s2+s3], $0x80, v4, vm0, $0xb8;
	[tilespmem:$0x1B400] =	vst v63  }
0x1e0: {  	s7 =	simm.s32 $0xFC00  }
0x1e1: {  	[tilespmem:s7], [sflag:$0x4] =	stream.indirect_vreg.gather [hbm4b:s2+s3], $0x80, v3, vm0, $0xb8;
	[tilespmem:$0x1B400] =	vst v63  }
0x1e2: {  	v3 =	vld [tilespmem:s12+$0x390];
	_ =	sdelay $0x4  }
0x1e3: {  	v61 =	vshrl.u32 v3, $0x3  }
0x1e4: {  	v4 =	vmul.u32 $0x18, v61  }
0x1e5: {  	v3 =	vand.u32 $0x7, v3  }
0x1e6: {  	v3 =	vor.u32 v3, v4  }
0x1e7: {  	v4 =	vperm.xlane v3, v0;
	_ =	sdelay $0x1  }
0x1e8: {  	v3 =	vperm.xlane v3, v2;
	v4 =	vadd.s32 v1, v4;
	_ =	sdelay $0x1  }
0x1e9: {  	v3 =	vadd.s32 v1, v3;
	_ =	sdelay $0x1  }
0x1ea: {  	s7 =	simm.s32 $0x10400  }
0x1eb: {  	[tilespmem:s7], [sflag:$0x4] =	stream.indirect_vreg.gather [hbm4b:s2+s3], $0x80, v4, vm0, $0xb8;
	[tilespmem:$0x1B400] =	vst v63  }
0x1ec: {  	s7 =	simm.s32 $0x10C00  }
0x1ed: {  	[tilespmem:s7], [sflag:$0x4] =	stream.indirect_vreg.gather [hbm4b:s2+s3], $0x80, v3, vm0, $0xb8;
	[tilespmem:$0x1B400] =	vst v63  }
0x1ee: {  	v3 =	vld [tilespmem:s12+$0x3A0];
	_ =	sdelay $0x4  }
0x1ef: {  	v62 =	vshrl.u32 v3, $0x3  }
0x1f0: {  	v4 =	vmul.u32 $0x18, v62  }
0x1f1: {  	v3 =	vand.u32 $0x7, v3  }
0x1f2: {  	v3 =	vor.u32 v3, v4  }
0x1f3: {  	v4 =	vperm.xlane v3, v0;
	_ =	sdelay $0x1  }
0x1f4: {  	v3 =	vperm.xlane v3, v2;
	v4 =	vadd.s32 v1, v4;
	_ =	sdelay $0x1  }
0x1f5: {  	v3 =	vadd.s32 v1, v3;
	_ =	sdelay $0x1  }
0x1f6: {  	s7 =	simm.s32 $0x11400  }
0x1f7: {  	[tilespmem:s7], [sflag:$0x4] =	stream.indirect_vreg.gather [hbm4b:s2+s3], $0x80, v4, vm0, $0xb8;
	[tilespmem:$0x1B400] =	vst v63  }
0x1f8: {  	s7 =	simm.s32 $0x11C00  }
0x1f9: {  	[tilespmem:s7], [sflag:$0x4] =	stream.indirect_vreg.gather [hbm4b:s2+s3], $0x80, v3, vm0, $0xb8;
	[tilespmem:$0x1B400] =	vst v63  }
0x1fa: {  	v3 =	vld [tilespmem:s12+$0x3B0];
	_ =	sdelay $0x4  }
0x1fb: {  	v63 =	vshrl.u32 v3, $0x3  }
0x1fc: {  	v4 =	vmul.u32 $0x18, v63  }
0x1fd: {  	v3 =	vand.u32 $0x7, v3  }
0x1fe: {  	v3 =	vor.u32 v3, v4  }
0x1ff: {  	v4 =	vperm.xlane v3, v0;
	_ =	sdelay $0x1  }
0x200: {  	v4 =	vadd.s32 v1, v4  }
0x201: {  	v3 =	vperm.xlane v3, v2;
	_ =	sdelay $0x1  }
0x202: {  	v3 =	vadd.s32 v1, v3  }
0x203: {  	s1 =	sadd.s32 $0x800, s1;
	s0 =	sadd.s32 $0x3000, s0;
	s7 =	simm.s32 $0x12400  }
0x204: {  	[tilespmem:s7], [sflag:$0x4] =	stream.indirect_vreg.gather [hbm4b:s2+s3], $0x80, v4, vm0, $0xb8;
	[tilespmem:$0x1B400] =	vst v63  }
.Ltmp3:
0x205: {  	s23 =	sadd.s32 $0x1000, s23;
	s22 =	sadd.s32 $0x3000, s22;
	(pc) =	sbr.rel .LBB2_2-.Ltmp3, $4  }
0x206: {  	s13 =	sadd.s32 $0x3000, s13;
	s24 =	sadd.s32 $0x3000, s24;
	s7 =	simm.s32 $0x12C00  }
0x207: {  	[tilespmem:s7], [sflag:$0x4] =	stream.indirect_vreg.gather [hbm4b:s2+s3], $0x80, v3, vm0, $0xb8;
	[tilespmem:$0x1B400] =	vst v63  }
0x208: {  	s14 =	simm.s32 $0x3400;
	s12 =	sadd.s32 $0x380, s12;
	s7 =	simm.s32 $0x19400  }
0x209: {  	[tilespmem:s7], [sflag:$0x8] =	stream.indirect.gather [hbm4b:s4+s21], $0x80, s12, s21, $0xb8;
	[tilespmem:$0x1B400] =	vst v63  }
.LBB2_5:
0x20a: {  	_ =	sfence.sel $0x180000  }
0x20b: {  	[bflag:$0x0] =	sbarrier.arrive $0xFFFF  }
0x20c: {  	_ =	strace $0x90000047  }
0x20d: {  	s0 =	stileid.u32;
	[bflag:$0x2] =	sbarrier.arrive $0xFFFF  }
0x20e: {  	p0 =	sne.s32 s0, $0x0;
	s0 =	rddreg [dreg:$0x2]  }
0x20f: {  	s0 =	sadd.s32 @!p0 $0x100000, s0  }
0x210: {  	[sflag:s0] =	ssyncadd.tile.s32 @!p0 $0x1;
	_ =	shalt  }
.Lfunc_end2:
_tile_overlayer_lowered:
.L_overlay_start_2:
0x211: {  	(tag) =	ssettag $0x2  }
0x212: {  	s0 =	rddreg [dreg:$0x0];
	s2 =	stileid.u32  }
0x213: {  	s1 =	rddreg [dreg:$0x1];
	p0 =	sne.s32 s2, $0x0  }
0x214: {  	s3 =	rddreg [dreg:$0x2];
	[bflag:$0x3] =	sbarrier.arrive $0xFFFF;
	s2 =	simm.s32 @!p0 $0x1C11  }
0x215: {  	[timem:s3], [sflag:s2] =	dma.local @!p0 [hbm:s0], s1  }
0x216: {  	s0 =	simm.s32 @!p0 $0x11  }
0x217: {  	_ =	swait.ge @!p0 [sflag:s0], s1  }
0x218: {  	s1 =	ssub.s32 @!p0 $0x0, s1;
	[sflag:s0] =	ssyncset.done @!p0 $0x0  }
0x219: {  	[sflag:s0] =	ssyncadd.s32 @!p0 s1  }
0x21a: {  	[bflag:$0x3] =	sbarrier.arrive $0xFFFF  }
0x21b: {  	_ =	shalt  }

// kernel: sparse-core-data-format-call.cloned.1.call-start
scs
called_computation_lowered:
.L_overlay_start_0:
0x0: {  	s2 =	sld [smem:$0x3FD9]  }
0x1: {  	s3 =	sld [smem:$0x3FFE];
	_ =	sdelay $0x1  }
0x2: {  	s1 =	srdreg.scid  }
0x3: {  	s0 =	sand.u32 $0x1, s1  }
0x4: {  	s18 =	sshll.u32 s0, $0xA;
	s2 =	sadd.s32 s3, s2  }
0x5: {  	s2 =	sadd.s32 s2, s18  }
0x6: {  	[smem:$0x3FC6] =	sst s2  }
0x7: {  	_ = 	snop  }
0x8: {  	s2 =	sld [smem:$0x3FD0];
	(tm) =	ssettm $0x1  }
0x9: {  	s19 =	sld [smem:$0x3FFB];
	_ =	sdelay $0x3  }
0xa: {  	_ =	strace s19  }
0xb: {  	s3 =	sld [smem:$0x3FFC];
	_ =	sdelay $0x3  }
0xc: {  	_ =	strace s3  }
0xd: {  	s3 =	sld [smem:$0x3FFD];
	_ =	sdelay $0x3  }
0xe: {  	_ =	strace s3  }
0xf: {  	_ =	strace $0x8FFFFFFF  }
0x10: {  	s20 =	sld [smem:$0x3FDB];
	_ =	sdelay $0x1  }
0x11: {  	s4 =	simm.s32 $_scs_section_size  }
0x12: {  	s5 =	simm.s32 $_size__tile_overlayer_lowered;
	s6 =	simm.s32 $_tile_overlayer_lowered  }
0x13: {  	s23 =	simm.s32 $0x1BFF;
	s22 =	sshll.u32 s6, $0x1;
	s3 =	sadd.s32 s4, s20  }
0x14: {  	s7 =	simm.s32 $0x0;
	s21 =	sshll.u32 s5, $0x1;
	s5 =	sadd.s32 s22, s3  }
0x15: {  	[timem:s7], [sflag:s23] =	dma.local [hbm:s5], s21  }
0x16: {  	_ =	swait.ge [sflag:s23], s21  }
0x17: {  	s4 =	ssub.s32 $0x0, s21;
	[sflag:s23] =	ssyncset.done $0x0  }
0x18: {  	[sflag:s23] =	ssyncadd.s32 s4;
	_ =	sdelay $0x1  }
0x19: {  	s24 =	simm.s32 $0x1B8B  }
0x1a: {  	_ =	swait.ge [sflag:s24], $0x1  }
0x1b: {  	[sflag:s24] =	ssyncset.done $0x0  }
0x1c: {  	s26 =	simm.s32 $0x1B8E;
	s25 =	sld [smem:$0x3FFE];
	[sflag:s24] =	ssyncadd.s32 $0xFFFFFFFF  }
0x1d: {  	s27 =	simm.s32 $execute0_lowered;
	[smem:$0x3FD2] =	sst s26  }
0x1e: {  	s5 =	sshll.u32 s27, $0x1;
	_ =	strace $0x80000049;
	[dreg:$0x1] =	wrdreg $0xFFFFFFFF  }
0x1f: {  	s28 =	simm.s32 $_size_execute0_lowered;
	s3 =	sadd.s32 s3, s5;
	[dreg:$0x0] =	wrdreg $0x0  }
0x20: {  	s5 =	sshll.u32 s28, $0x1;
	[dreg:$0x2] =	wrdreg s3  }
0x21: {  	[dreg:$0x3] =	wrdreg s5  }
0x22: {  	[dreg:$0x4] =	wrdreg $0xC0  }
0x23: {  	_ =	task [dreg:s7], $0x5FFFF  }
0x24: {  	[dreg:$0x1] =	wrdreg $0xFFFFFFFF  }
0x25: {  	[dreg:$0x0] =	wrdreg $0x60  }
0x26: {  	[dreg:$0x2] =	wrdreg s25  }
0x27: {  	[dreg:$0x3] =	wrdreg s2  }
0x28: {  	[dreg:$0x4] =	wrdreg $0x9  }
0x29: {  	_ =	task.clear_ibuf [dreg:s7], $0x5FFFF;
	_ =	strace $0x90000049  }
0x2a: {  	s29 =	simm.s32 $0x9;
	_ =	strace $0x8000004B  }
0x2b: {  	_ =	swait.ge [sflag:s29], $0x1  }
0x2c: {  	[sflag:s29] =	ssyncadd.s32 $0xFFFFFFFF  }
0x2d: {  	_ =	strace $0x9000004B  }
0x2e: {  	_ =	sfence  }
0x2f: {  	s30 =	sld [smem:$0x0];
	_ =	sdelay $0x2  }
0x30: {  	s31 =	sshll.u32 s1, $0xD;
	s1 =	sshrl.u32 s1, $0x2  }
0x31: {  	s3 =	sand.u32 $0x4000, s31;
	s1 =	sadd.s32 s1, s30  }
0x32: {  	s0 =	sor.u32 s3, s0;
	s1 =	sshll.u32 s1, $0x11  }
0x33: {  	s0 =	sor.u32 s1, s0  }
0x34: {  	s0 =	sadd.s32 $0x8F2B, s0  }
0x35: {  	[sflag:s0] =	ssyncadd.remote.s32 $0x1  }
0x36: {  	_ =	sfence.sel $0xFFFF  }
0x37: {  	[dreg:$0x0] =	wrdreg $0xFFFFFFFF;
	(pc) =	sbr.abs _section_cstart, $3  }
0x38: {  	[dreg:$0x1] =	wrdreg $0xFFFFFFFF  }
0x39: {  	_ =	task.clear_ibuf [dreg:s7], $0x2FFFF;
	_ =	strace $0x9FFFFFFF  }
0x3a: {  	(tm) =	ssettm $0x7FFFFFFF  }
0x3b: {  	_ =	shalt  }
tec
execute0_lowered:
.L_overlay_start_1:
0x0: {  	(tag) =	ssettag $0x1  }
0x1: {  	s4 =	rddreg [dreg:$0x0]  }
0x2: {  	s0 =	stileid.u32;
	s2 =	rddreg [dreg:$0x1]  }
0x3: {  	s7 =	srdreg.scid;
	s8 =	simm.s32 $0x2;
	s17 =	simm.s32 $0x0  }
0x4: {  	s9 =	simm.s32 $0x32000;
	s19 =	simm.s32 $0x0;
	s18 =	simm.s32 $0x0  }
0x5: {  	s10 =	simm.s32 $0x0;
	s11 =	simm.s32 $0x0;
	s1 =	sshll.u32 s0, $0x7  }
0x6: {  	s12 =	simm.s32 $0x0;
	s13 =	simm.s32 $0x0;
	s3 =	sand.u32 $0x380, s1  }
0x7: {  	s16 =	simm.s32 $0x0;
	s7 =	sshll.u32 s7, $0x4;
	s5 =	ssub.s32 $0x400, s3  }
0x8: {  	s4 =	sadd.s32 $0x31B000, s4;
	s1 =	rddreg [dreg:$0x2];
	s6 =	sand.u32 $0x380, s5  }
0x9: {  	s7 =	sand.u32 $0x10, s7;
	p0 =	sne.s32 s6, $0x0;
	s6 =	simm.s32 $0x1  }
.Ltmp0:
0xa: {  	s5 =	sshrl.u32 s5, $0xA;
	s6 =	simm.s32 @!p0 $0x0;
	(pc) =	sbr.rel .LBB1_1-.Ltmp0, $4  }
0xb: {  	_ =	strace $0x8000004A;
	s7 =	sor.u32 s0, s7;
	s6 =	sadd.s32 s6, s5  }
0xc: {  	s7 =	sshrl.u32 s7, $0x3;
	s5 =	simm.s32 $0x1;
	s6 =	smul.u32 $0x96, s6  }
0xd: {  	s15 =	smov.u32 s3;
	s14 =	smov.u32 s7;
	[sflag:s5] =	ssyncpa.u1 $0x0  }
0xe: {  	p0 =	por $0x0, $0x0;
	[sflag:s8] =	ssyncpa.u1 $0x0;
	s8 =	sor.u32 $0x1, s6  }
.LBB1_4:
0xf: {  	s25 =	sshll.u32 s11, $0xA;
	s26 =	sshll.u32 s12, $0x3;
	s24 =	sshra.s32 s24, $0x2  }
0x10: {  	p1 =	sgt.s32 s10, $0xAC;
	s27 =	sshra.s32 s11, $0x1F;
	s28 =	sshra.s32 s10, $0x1F  }
0x11: {  	s29 =	sshra.s32 s12, $0x1F;
	s25 =	sand.u32 $0xFFFFE000, s25;
	s26 =	sand.u32 $0xFFFFFC00, s26  }
0x12: {  	s23 =	sadd.s32 s24, s23;
	s27 =	sand.u32 s27, s11;
	s25 =	sadd.s32 s26, s25  }
0x13: {  	s28 =	sand.u32 s28, s10;
	s24 =	sshrl.u32 s25, $0xA;
	s25 =	smov.u32 s10  }
0x14: {  	s26 =	smov.u32 s11;
	s25 =	simm.s32 @!p1 $0xAC;
	p1 =	sgt.s32 s11, $0xC7  }
0x15: {  	[tilespmem:s22+$0x2040 ss:$0x81] =	vst.msk $0xffff, v4;
	s29 =	sand.u32 s29, s12;
	s30 =	smulhi.u32 $0x147AE15, s24;
	s26 =	simm.s32 @!p1 $0xC7  }
0x16: {  	v5 =	vld [tilespmem:s21+$0xFFFFFFD0];
	[tilespmem:s22+$0x2850 ss:$0x81] =	vst.msk $0xffff, v3;
	p1 =	sgt.s32 s12, $0x380;
	s25 =	ssub.s32 s25, s28;
	s26 =	ssub.s32 s26, s27  }
0x17: {  	v58 =	vld [tilespmem:s21+$0xFFFFFFE0];
	[tilespmem:s22+$0x3060 ss:$0x81] =	vst.msk $0xffff, v2;
	s27 =	smov.u32 s12;
	s28 =	sadd.s32 $0xFFFFFF54, s25;
	s25 =	ssub.s32 $0x12C, s25  }
0x18: {  	v59 =	vld [tilespmem:s21+$0xFFFFFFF0];
	[tilespmem:s22+$0x0 ss:$0x81] =	vst.msk $0xffff, v1;
	s27 =	simm.s32 @!p1 $0x380;
	s31 =	sadd.s32 $0xFFFFFF39, s26;
	s22 =	ssub.s32 $0xC8, s26  }
0x19: {  	v60 =	vld [tilespmem:s21+$0x0];
	s27 =	ssub.s32 s27, s29;
	p1 =	sgt.s32 s31, $0x0;
	s29 =	smul.u32 $0xC8, s30  }
0x1a: {  	v61 =	vld [tilespmem:s21+$0x10];
	[tilespmem:s23+$0x3870 ss:$0x81] =	vst.msk $0xffff, v0;
	s30 =	sshll.u32 s11, $0x7;
	s31 =	sadd.s32 $0xFFFFFC80, s27;
	s26 =	ssub.s32 $0x400, s27  }
0x1b: {  	v62 =	vld [tilespmem:s21+$0x20];
	[tilespmem:s23+$0x810 ss:$0x81] =	vst.msk $0xffff, v5;
	s22 =	simm.s32 @p1 $0x0;
	p1 =	sgt.s32 s28, $0x7F;
	p2 =	sgt.s32 s31, $0x7F  }
0x1c: {  	v63 =	vld [tilespmem:s21+$0xFFFFFFC0];
	[tilespmem:s23+$0x1020 ss:$0x81] =	vst.msk $0xffff, v58;
	s27 =	sand.u32 $0x78, s12;
	s31 =	smul.u32 $0x6400, s10;
	s26 =	simm.s32 @p2 $0x0  }
0x1d: {  	[tilespmem:s23+$0x1830 ss:$0x81] =	vst.msk $0xffff, v59;
	s21 =	sand.u32 $0x380, s30;
	s25 =	simm.s32 @p1 $0x0;
	s22 =	smul.u32 s26, s22  }
0x1e: {  	[tilespmem:s23+$0x2040 ss:$0x81] =	vst.msk $0xffff, v60;
	s21 =	sor.u32 s27, s21;
	s24 =	ssub.s32 s24, s29;
	s29 =	sand.u32 $0x7, s12  }
0x1f: {  	[tilespmem:s23+$0x2850 ss:$0x81] =	vst.msk $0xffff, v61;
	s21 =	sshrl.u32 s21, $0x3;
	s28 =	sadd.s32 s2, s31;
	s22 =	smul.u32 s25, s22  }
0x20: {  	[tilespmem:s23+$0x3060 ss:$0x81] =	vst.msk $0xffff, v62;
	s24 =	sshll.u32 s24, $0x7;
	s30 =	sshll.u32 s29, $0x12;
	s21 =	sadd.s32 s21, s28  }
0x21: {  	[tilespmem:s23+$0x0 ss:$0x81] =	vst.msk $0xffff, v63;
	s31 =	sor.u32 $0x80, s30;
	s21 =	sadd.s32 s24, s21;
	s22 =	sand.u32 $0x3FFFFFFF, s22  }
0x22: {  	[hbm4b:s21+s31] =	stream.strided.scatter [tilespmem:s20], [sflag:$0x2], s22, s9, s31, $0x20;
	[tilespmem:$0x10100] =	vst v63  }
.LBB1_5:
0x23: {  	p1 =	slt.u32 s16, $0x2;
	s21 =	smov.u32 s19  }
0x24: {  	p2 =	sgt.s32 @!p1 s17, $0xAC;
	s20 =	sshra.s32 @!p1 s17, $0x1F;
	p3 =	sgt.s32 @!p1 s19, $0xC7  }
0x25: {  	s22 =	sshra.s32 @!p1 s19, $0x1F;
	p2 =	por !p2, p1;
	s20 =	sand.u32 @!p1 s20, s17  }
0x26: {  	p3 =	por !p3, p1;
	s19 =	sand.u32 @!p1 s22, s19;
	s22 =	sshra.s32 @!p1 s18, $0x1F  }
0x27: {  	s21 =	simm.s32 @p3 $0xC7;
	p3 =	sgt.s32 @!p1 s18, $0x380;
	s17 =	simm.s32 @p2 $0xAC  }
0x28: {  	s19 =	ssub.s32 @!p1 s21, s19;
	p3 =	por !p3, p1;
	s21 =	smov.u32 s18  }
0x29: {  	s18 =	sand.u32 @!p1 s22, s18;
	s17 =	ssub.s32 @!p1 s17, s20;
	s21 =	simm.s32 @p3 $0x380  }
0x2a: {  	s20 =	sadd.s32 @!p1 $0xFFFFFF39, s19;
	s19 =	ssub.s32 @!p1 $0xC8, s19;
	s18 =	ssub.s32 @!p1 s21, s18  }
0x2b: {  	s21 =	sadd.s32 @!p1 $0xFFFFFF54, s17;
	p2 =	sgt.s32 @!p1 s20, $0x0;
	s20 =	sadd.s32 @!p1 $0xFFFFFC80, s18  }
0x2c: {  	s17 =	ssub.s32 @!p1 $0x12C, s17;
	p2 =	por !p2, p1;
	p3 =	sgt.s32 @!p1 s20, $0x7F  }
0x2d: {  	s18 =	ssub.s32 @!p1 $0x400, s18;
	s19 =	simm.s32 @!p2 $0x0;
	p2 =	por !p3, p1  }
0x2e: {  	s20 =	sadd.s32 $0x80, s13;
	p3 =	sgt.s32 @!p1 s21, $0x7F;
	s18 =	simm.s32 @!p2 $0x0  }
0x2f: {  	s21 =	smov.u32 s14;
	p2 =	por !p3, p1;
	s18 =	smul.u32 @!p1 s18, s19  }
0x30: {  	s17 =	simm.s32 @!p2 $0x0;
	p2 =	sgt.s32 s20, $0x12B;
	s19 =	sadd.s32 $0x4, s14  }
0x31: {  	s22 =	smov.u32 s15;
	s21 =	smov.u32 @p2 s19  }
0x32: {  	s17 =	smul.u32 @!p1 s17, s18;
	p3 =	sgt.s32 s21, $0xC7;
	s18 =	sadd.s32 $0x400, s15  }
0x33: {  	p0 =	por !p0, !p0;
	s23 =	simm.s32 @!p1 $0x2;
	s22 =	smov.u32 @p3 s18  }
0x34: {  	s20 =	simm.s32 @p2 $0x0;
	s19 =	smov.u32 s11;
	p2 =	sgt.s32 s22, $0x3FF  }
0x35: {  	s11 =	smov.u32 s14;
	s22 =	smov.u32 @p2 s3;
	p2 =	sne.s32 s16, s8  }
.Ltmp1:
0x36: {  	s21 =	smov.u32 @p3 s7;
	s18 =	smov.u32 s12;
	(pc) =	sbr.rel @!p2 .LBB1_6-.Ltmp1, $4  }
0x37: {  	s12 =	smov.u32 s15;
	s17 =	sand.u32 @!p1 $0x3FFFFFFF, s17;
	s14 =	smov.u32 s21  }
0x38: {  	_ =	swait.ge @!p1 [sflag:s23], s17;
	s24 =	ssub.s32 @!p1 $0x0, s17;
	s17 =	smov.u32 s10  }
0x39: {  	s16 =	sadd.s32 $0x1, s16;
	s10 =	smov.u32 s13;
	[sflag:s23] =	ssyncset.done @!p1 $0x0  }
0x3a: {  	s13 =	smov.u32 s20;
	s15 =	smov.u32 s22;
	[sflag:s23] =	ssyncadd.s32 @!p1 s24  }
.LBB1_1:
0x3b: {  	p1 =	sge.u32 s16, s6  }
0x3c: {  	s20 =	sshrl.u32 @!p1 s14, $0x3  }
0x3d: {  	s21 =	sshll.u32 @!p1 s13, $0x3;
	s20 =	smul.u32 @!p1 $0xC00, s20  }
0x3e: {  	s22 =	sshll.u32 @!p1 s14, $0x7;
	s21 =	sand.u32 @!p1 $0xFFFFFC00, s21  }
0x3f: {  	s20 =	sadd.s32 @!p1 s20, s21;
	s21 =	sand.u32 @!p1 $0x380, s22  }
0x40: {  	s20 =	sor.u32 @!p1 s21, s20  }
0x41: {  	s21 =	sand.u32 @!p1 $0x7F, s13;
	s22 =	smulhi.u32 @!p1 $0xAAAAAAAB, s20  }
0x42: {  	s20 =	sor.u32 @!p1 s21, s20  }
0x43: {  	s21 =	smulhi.u32 @!p1 $0xAAAAAAAB, s20;
	s22 =	sshrl.u32 @!p1 s22, $0x8  }
0x44: {  	s23 =	smulhi.u32 @!p1 $0x147AE15, s22;
	_ =	sdelay $0x1  }
0x45: {  	s21 =	sshrl.u32 @!p1 s21, $0x8;
	s23 =	smul.u32 @!p1 $0xC8, s23  }
0x46: {  	s31 =	sadd.s32 $0xFFFFFFFF, s16;
	s21 =	smul.u32 @!p1 $0x180, s21  }
0x47: {  	s24 =	sxor.u32 @!p1 $0xFFFFFFFF, s16;
	s22 =	ssub.s32 @!p1 s22, s23;
	s23 =	smul.u32 @!p1 $0x2580, s15  }
0x48: {  	s24 =	sshll.u32 @!p1 s24, $0xE;
	s20 =	ssub.s32 @!p1 s20, s21;
	s21 =	smul.u32 @!p1 $0x30, s22  }
0x49: {  	s22 =	sand.u32 @!p1 $0x4000, s24;
	s24 =	sand.u32 @!p1 $0x7, s20;
	s23 =	sadd.s32 @!p1 s4, s23  }
0x4a: {  	s20 =	sshrl.u32 @!p1 s20, $0x3;
	s21 =	sadd.s32 @!p1 s21, s23;
	s23 =	sshll.u32 @!p1 s24, $0x12  }
0x4b: {  	s20 =	sadd.s32 @!p1 s20, s21;
	s21 =	sor.u32 @!p1 $0x80, s23;
	s23 =	simm.s32 @!p1 $0x12C00  }
0x4c: {  	[tilespmem:s22], [sflag:$0x1] =	stream.strided.gather @!p1 [hbm4b:s20+s21], $0x4000, s23, s21, $0x38;
	[tilespmem:$0x10100] =	vst v63  }
0x4d: {  	p1 =	sge.u32 s31, s6  }
.Ltmp2:
0x4e: {  	_ = 	snop;
	(pc) =	sbr.rel @p1 .LBB1_5-.Ltmp2, $1  }
0x4f: {  	_ =	sdelay $0x3  }
0x50: {  	s20 =	simm.s32 $0x1  }
0x51: {  	_ =	swait.ge [sflag:s5], $0x4000;
	s20 =	simm.s32 @!p0 $0x0  }
0x52: {  	[sflag:s5] =	ssyncset.done $0x0;
	s21 =	sshll.u32 s20, $0xE  }
0x53: {  	[sflag:s5] =	ssyncadd.s32 $0xFFFFC000;
	s21 =	sor.u32 $0x40, s21  }
0x54: {  	s20 =	smul.u32 $0x10200, s20;
	v0 =	vld [tilespmem:s21+$0x30]  }
0x55: {  	v1 =	vld [tilespmem:s21+$0xFFFFFFD0]  }
0x56: {  	s20 =	sshrl.u32 s20, $0x2;
	v5 =	vld [tilespmem:s21+$0xFFFFFFE0]  }
0x57: {  	v6 =	vld [tilespmem:s21+$0xFFFFFFF0];
	s23 =	sor.u32 $0x8000, s20  }
0x58: {  	s31 =	sand.u32 $0x1, s16;
	v4 =	vld [tilespmem:s21+$0x0];
	s22 =	sadd.s32 $0x0, s23  }
0x59: {  	v3 =	vld [tilespmem:s21+$0x10];
	s20 =	smul.u32 $0x10200, s31;
	[tilespmem:s22+$0x3870 ss:$0x81] =	vst.msk $0xffff, v0  }
0x5a: {  	v2 =	vld [tilespmem:s21+$0x20];
	[tilespmem:s22+$0x810 ss:$0x81] =	vst.msk $0xffff, v1  }
0x5b: {  	s20 =	sshrl.u32 s20, $0x2;
	v1 =	vld [tilespmem:s21+$0xFFFFFFC0];
	[tilespmem:s22+$0x1020 ss:$0x81] =	vst.msk $0xffff, v5;
	s21 =	sadd.s32 $0x80, s21  }
0x5c: {  	s24 =	simm.s32 $0x4;
	s25 =	simm.s32 $0x8;
	s20 =	sor.u32 $0x8000, s20;
	[tilespmem:s22+$0x1830 ss:$0x81] =	vst.msk $0xffff, v6;
	v0 =	vld [tilespmem:s21+$0x30]  }
.LBB1_3:
0x5d: {  	p1 =	sne.s32 s25, $0x1FC;
	v5 =	vld [tilespmem:s21+$0xFFFFFFD0];
	[tilespmem:s22+$0x2040 ss:$0x81] =	vst.msk $0xffff, v4  }
0x5e: {  	v6 =	vld [tilespmem:s21+$0xFFFFFFE0];
	[tilespmem:s22+$0x2850 ss:$0x81] =	vst.msk $0xffff, v3  }
0x5f: {  	s26 =	sshra.s32 s24, $0x2;
	s24 =	smov.u32 s25;
	v7 =	vld [tilespmem:s21+$0xFFFFFFF0];
	[tilespmem:s22+$0x3060 ss:$0x81] =	vst.msk $0xffff, v2  }
.Ltmp3:
0x60: {  	v4 =	vld [tilespmem:s21+$0x0];
	[tilespmem:s22+$0x0 ss:$0x81] =	vst.msk $0xffff, v1;
	s22 =	sadd.s32 s26, s23;
	(pc) =	sbr.rel @p1 .LBB1_3-.Ltmp3, $4  }
0x61: {  	v3 =	vld [tilespmem:s21+$0x10];
	[tilespmem:s22+$0x3870 ss:$0x81] =	vst.msk $0xffff, v0  }
0x62: {  	[tilespmem:s22+$0x810 ss:$0x81] =	vst.msk $0xffff, v5;
	v2 =	vld [tilespmem:s21+$0x20]  }
0x63: {  	v1 =	vld [tilespmem:s21+$0xFFFFFFC0];
	[tilespmem:s22+$0x1020 ss:$0x81] =	vst.msk $0xffff, v6;
	s21 =	sadd.s32 $0x80, s21  }
0x64: {  	s25 =	sadd.s32 $0x4, s25;
	v0 =	vld [tilespmem:s21+$0x30];
	[tilespmem:s22+$0x1830 ss:$0x81] =	vst.msk $0xffff, v7  }
.Ltmp4:
0x65: {  	_ = 	snop;
	(pc) =	sbr.rel .LBB1_4-.Ltmp4, $1  }
0x66: {  	_ =	sdelay $0x3  }
.LBB1_6:
0x67: {  	_ =	sfence.sel $0x180000  }
0x68: {  	s2 =	simm.s32 $0x1;
	[bflag:$0x0] =	sbarrier.arrive $0xFFFF  }
0x69: {  	s31 =	simm.s32 $0x2;
	[sflag:s2] =	ssyncpa.u1 $0x1  }
0x6a: {  	[sflag:s31] =	ssyncpa.u1 $0x1  }
0x6b: {  	p0 =	sne.s32 s0, $0x0;
	_ =	strace $0x9000004A  }
0x6c: {  	s0 =	sadd.s32 @!p0 $0x100000, s1;
	[bflag:$0x2] =	sbarrier.arrive $0xFFFF  }
0x6d: {  	[sflag:s0] =	ssyncadd.tile.s32 @!p0 $0x1;
	_ =	shalt  }
.Lfunc_end1:
_tile_overlayer_lowered:
.L_overlay_start_2:
0x6e: {  	(tag) =	ssettag $0x2  }
0x6f: {  	s0 =	rddreg [dreg:$0x0];
	s2 =	stileid.u32  }
0x70: {  	s1 =	rddreg [dreg:$0x1];
	p0 =	sne.s32 s2, $0x0  }
0x71: {  	s3 =	rddreg [dreg:$0x2];
	[bflag:$0x3] =	sbarrier.arrive $0xFFFF;
	s2 =	simm.s32 @!p0 $0x1C01  }
0x72: {  	[timem:s3], [sflag:s2] =	dma.local @!p0 [hbm:s0], s1  }
0x73: {  	s0 =	simm.s32 @!p0 $0x1  }
0x74: {  	_ =	swait.ge @!p0 [sflag:s0], s1  }
0x75: {  	s1 =	ssub.s32 @!p0 $0x0, s1;
	[sflag:s0] =	ssyncset.done @!p0 $0x0  }
0x76: {  	[sflag:s0] =	ssyncadd.s32 @!p0 s1  }
0x77: {  	[bflag:$0x3] =	sbarrier.arrive $0xFFFF  }
0x78: {  	_ =	shalt  }

</sc_bundles>
